<compile_context>
chip_gen: v7x
topology: tpu7x:2x2x1
jax: 0.10.2.dev20260603
libtpu: 0.0.44.dev20260713+nightly
codegen_flags: <defaults>
</compile_context>

<pallas_src>
import dataclasses
import functools

import jax
import jax.numpy as jnp
from jax import lax
from jax.experimental import pallas as pl
from jax.experimental.pallas import tpu as pltpu
from jax.experimental.pallas import tpu_sc as plsc

_NC = 2
_NS = 16
_L = 16
_NBUF = 8


def _make_sc_call(B, D, n_workers, bpw):
    mesh = plsc.VectorSubcoreMesh(
        core_axis_name="c", subcore_axis_name="s",
        num_cores=_NC, num_subcores=_NS)

    cp = pltpu.CompilerParams()
    if "needs_layout_passes" in pltpu.CompilerParams.__dataclass_fields__:
        cp = dataclasses.replace(cp, needs_layout_passes=False)

    tile_bufs = [pltpu.VMEM((D, 128), jnp.float32)
                 for _ in range(2 * _NBUF)]

    @functools.partial(
        pl.kernel,
        compiler_params=cp,
        out_type=jax.ShapeDtypeStruct((n_workers, bpw), jnp.float32),
        mesh=mesh,
        scratch_types=[
            pltpu.VMEM((bpw * 2,), jnp.int32),
            pltpu.VMEM((bpw,), jnp.float32),
            pltpu.VMEM((D, bpw), jnp.float32),
            pltpu.VMEM((D, bpw), jnp.float32),
            pltpu.VMEM((bpw,), jnp.float32),
            *tile_bufs,
            pltpu.SemaphoreType.DMA,
            pltpu.SemaphoreType.DMA,
        ],
    )
    def run(ij_hbm, de_hbm, ut_hbm, vt_hbm, o_hbm,
            ij_v, de_v, utc, vtc, out_v, *rest):
        ubufs = rest[:_NBUF]
        vbufs = rest[_NBUF:2 * _NBUF]
        sem_u, sem_v = rest[2 * _NBUF:]

        w = lax.axis_index("s") * _NC + lax.axis_index("c")
        pltpu.sync_copy(ij_hbm.at[w], ij_v)
        pltpu.sync_copy(de_hbm.at[w], de_v)

        lane = lax.iota(jnp.int32, _L)
        lane2 = jnp.bitwise_and(lane, jnp.int32(1))

        def scalars(k):
            x = plsc.load_gather(ij_v, [2 * k + lane2])
            return x[0], x[1]

        def fire(k, slot):
            i, j = scalars(k)
            bi = pl.multiple_of(
                jnp.bitwise_and(i, jnp.int32(~127)), 128)
            bj = pl.multiple_of(
                jnp.bitwise_and(j, jnp.int32(~127)), 128)
            pltpu.async_copy(ut_hbm.at[:, pl.ds(bi, 128)], ubufs[slot], sem_u)
            pltpu.async_copy(vt_hbm.at[:, pl.ds(bj, 128)], vbufs[slot], sem_v)

        def wait(slot):
            pltpu.make_async_copy(
                ut_hbm.at[:, pl.ds(0, 128)], ubufs[slot], sem_u).wait()
            pltpu.make_async_copy(
                vt_hbm.at[:, pl.ds(0, 128)], vbufs[slot], sem_v).wait()

        def process(k, slot):
            i, j = scalars(k)
            ci = jnp.full((_L,), jnp.bitwise_and(i, jnp.int32(127)), jnp.int32)
            cj = jnp.full((_L,), jnp.bitwise_and(j, jnp.int32(127)), jnp.int32)
            kk = jnp.full((_L,), k, jnp.int32)
            u0 = plsc.load_gather(ubufs[slot], [lane, ci])
            u1 = plsc.load_gather(ubufs[slot], [lane + _L, ci])
            v0 = plsc.load_gather(vbufs[slot], [lane, cj])
            v1 = plsc.load_gather(vbufs[slot], [lane + _L, cj])
            plsc.store_scatter(utc, [lane, kk], u0)
            plsc.store_scatter(utc, [lane + _L, kk], u1)
            plsc.store_scatter(vtc, [lane, kk], v0)
            plsc.store_scatter(vtc, [lane + _L, kk], v1)

        for s in range(_NBUF):
            fire(s, s)

        @pl.loop(0, bpw, step=_NBUF)
        def _(k0):
            for s in range(_NBUF):
                k = k0 + s
                wait(s)
                process(k, s)
                fire(jnp.minimum(k + _NBUF, bpw - 1), s)

        for s in range(_NBUF):
            wait(s)

        @pl.loop(0, bpw, step=_L)
        def _(k0):
            acc0 = jnp.zeros((_L,), jnp.float32)
            acc1 = jnp.zeros((_L,), jnp.float32)
            for d in range(0, D, 2):
                acc0 += utc[d, pl.ds(k0, _L)] * vtc[d, pl.ds(k0, _L)]
                acc1 += utc[d + 1, pl.ds(k0, _L)] * vtc[d + 1, pl.ds(k0, _L)]
            t = de_v[pl.ds(k0, _L)] * (acc0 + acc1)
            out_v[pl.ds(k0, _L)] = -1.0 / (1.0 + jnp.exp(-t))

        pltpu.sync_copy(out_v, o_hbm.at[w])

    return run


def kernel(pair, U, V):
    B = pair.shape[0]
    D = U.shape[1]
    n_workers = _NC * _NS
    bpw = B // n_workers

    ij = pair[:, :2].reshape(n_workers, bpw * 2)
    de = pair[:, 2].astype(jnp.float32).reshape(n_workers, bpw)

    run = _make_sc_call(B, D, n_workers, bpw)
    out = run(ij, de, U.T, V.T)
    return out.reshape(B, 1)

# --- scband reference (transcript-rebuilt; emitter-appended) ---
"""Pipeline reference for scband-dwe-66657892434484 (READ-ONLY COPY).

The authoritative reference and input builder live on the scoring server;
editing this copy changes nothing except your own understanding.
"""

import jax, jax.numpy as jnp
import numpy as np

V_SIZE = 1000000
D = 32
B = 16384


def setup_inputs(seed: int = 0) -> dict:
    key = jax.random.key(seed)
    k1, k2, k3 = jax.random.split(key, 3)
    pair = jax.random.randint(k1, (B, 3), 0, V_SIZE, dtype=jnp.int32)
    # Keras Embedding default initializer: uniform(-0.05, 0.05)
    U = jax.random.uniform(k2, (V_SIZE, D), dtype=jnp.float32, minval=-0.05, maxval=0.05)
    V = jax.random.uniform(k3, (V_SIZE, D), dtype=jnp.float32, minval=-0.05, maxval=0.05)
    return {"pair": pair, "U": U, "V": V}


def reference(pair, U, V):
    # tf.split(pair, [1,1,1], 1) then squeeze of embedding lookups
    i = pair[:, 0]
    j = pair[:, 1]
    de = pair[:, 2].astype(jnp.float32)  # [B]
    u = jnp.take(U, i, axis=0)  # [B, D]  (squeeze of [B,1,D])
    v = jnp.take(V, j, axis=0)  # [B, D]
    x = jnp.sum(u * v, axis=1)  # [B]
    x = x[:, None]              # expand_dims -> [B, 1]
    x = de[:, None] * x         # multiply by de [B,1]
    x = jax.nn.sigmoid(x)
    return -x

if __name__ == "__main__":
    import jax
    _d = setup_inputs()
    print(jax.jit(kernel)(*tuple(_d.values())))

</pallas_src>

<mosaic_0001>
#map = affine_map<(d0, d1) -> (0, 0)>
module attributes {stable_mosaic.version = 14 : i64} {
  func.func @run(%arg0: i32, %arg1: i32, %arg2: memref<32x1024xi32, #tpu.memory_space<hbm>>, %arg3: memref<32x512xf32, #tpu.memory_space<hbm>>, %arg4: memref<32x1000000xf32, #tpu.memory_space<hbm>>, %arg5: memref<32x1000000xf32, #tpu.memory_space<hbm>>, %arg6: memref<32x512xf32, #tpu.memory_space<hbm>>, %arg7: memref<1024xi32, #tpu.memory_space<vmem>>, %arg8: memref<512xf32, #tpu.memory_space<vmem>>, %arg9: memref<32x512xf32, #tpu.memory_space<vmem>>, %arg10: memref<32x512xf32, #tpu.memory_space<vmem>>, %arg11: memref<512xf32, #tpu.memory_space<vmem>>, %arg12: memref<32x128xf32, #tpu.memory_space<vmem>>, %arg13: memref<32x128xf32, #tpu.memory_space<vmem>>, %arg14: memref<32x128xf32, #tpu.memory_space<vmem>>, %arg15: memref<32x128xf32, #tpu.memory_space<vmem>>, %arg16: memref<32x128xf32, #tpu.memory_space<vmem>>, %arg17: memref<32x128xf32, #tpu.memory_space<vmem>>, %arg18: memref<32x128xf32, #tpu.memory_space<vmem>>, %arg19: memref<32x128xf32, #tpu.memory_space<vmem>>, %arg20: memref<32x128xf32, #tpu.memory_space<vmem>>, %arg21: memref<32x128xf32, #tpu.memory_space<vmem>>, %arg22: memref<32x128xf32, #tpu.memory_space<vmem>>, %arg23: memref<32x128xf32, #tpu.memory_space<vmem>>, %arg24: memref<32x128xf32, #tpu.memory_space<vmem>>, %arg25: memref<32x128xf32, #tpu.memory_space<vmem>>, %arg26: memref<32x128xf32, #tpu.memory_space<vmem>>, %arg27: memref<32x128xf32, #tpu.memory_space<vmem>>, %arg28: memref<!tpu.dma_semaphore, #tpu.memory_space<semaphore_mem>>, %arg29: memref<!tpu.dma_semaphore, #tpu.memory_space<semaphore_mem>>) attributes {dimension_semantics = [#tpu.dimension_semantics<core_parallel>, #tpu.dimension_semantics<subcore_parallel>], iteration_bounds = array<i64: 2, 16>, scalar_prefetch = 0 : i64, scratch_operands = 23 : i64, tpu.core_type = #tpu.core_type<sc_vector_subcore>, window_params = [{transform_indices = #map}, {transform_indices = #map}, {transform_indices = #map}, {transform_indices = #map}, {transform_indices = #map}]} {
    %mul3A = arith.constant 2 : i32
    %mul3A_0 = arith.muli %arg1, %mul3A : i32
    %add3A = arith.addi %mul3A_0, %arg0 : i32
    "tpu.region"() ({
      %run_scoped3A = tpu.sem_alloc : memref<!tpu.dma_semaphore, #tpu.memory_space<semaphore_mem>>
      %dma_start3A_278 = arith.constant 0 : i32
      %dma_start3A_279 = tpu.memref_slice %arg2[%add3A, %dma_start3A_278] : memref<32x1024xi32, #tpu.memory_space<hbm>> -> memref<1x1024xi32, #tpu.memory_space<hbm>>
      %dma_start3A_280 = tpu.memref_squeeze %dma_start3A_279 : memref<1x1024xi32, #tpu.memory_space<hbm>> -> memref<1024xi32, #tpu.memory_space<hbm>>
      %dma_start3A_281 = arith.constant 0 : i32
      %dma_start3A_282 = tpu.memref_slice %arg2[%add3A, %dma_start3A_281] : memref<32x1024xi32, #tpu.memory_space<hbm>> -> memref<1x1024xi32, #tpu.memory_space<hbm>>
      %dma_start3A_283 = tpu.memref_squeeze %dma_start3A_282 : memref<1x1024xi32, #tpu.memory_space<hbm>> -> memref<1024xi32, #tpu.memory_space<hbm>>
      tpu.enqueue_dma source(%dma_start3A_283 : memref<1024xi32, #tpu.memory_space<hbm>>) target(%arg7 : memref<1024xi32, #tpu.memory_space<vmem>>) target_semaphore(%run_scoped3A : memref<!tpu.dma_semaphore, #tpu.memory_space<semaphore_mem>>)
      %dma_wait3A_284 = arith.constant 0 : i32
      %dma_wait3A_285 = tpu.memref_slice %arg2[%add3A, %dma_wait3A_284] : memref<32x1024xi32, #tpu.memory_space<hbm>> -> memref<1x1024xi32, #tpu.memory_space<hbm>>
      %dma_wait3A_286 = tpu.memref_squeeze %dma_wait3A_285 : memref<1x1024xi32, #tpu.memory_space<hbm>> -> memref<1024xi32, #tpu.memory_space<hbm>>
      %dma_wait3A_287 = arith.constant 0 : i32
      %dma_wait3A_288 = tpu.memref_slice %arg2[%add3A, %dma_wait3A_287] : memref<32x1024xi32, #tpu.memory_space<hbm>> -> memref<1x1024xi32, #tpu.memory_space<hbm>>
      %dma_wait3A_289 = tpu.memref_squeeze %dma_wait3A_288 : memref<1x1024xi32, #tpu.memory_space<hbm>> -> memref<1024xi32, #tpu.memory_space<hbm>>
      tpu.wait_dma2 semaphore(%run_scoped3A : memref<!tpu.dma_semaphore, #tpu.memory_space<semaphore_mem>>) src(%dma_wait3A_289 : memref<1024xi32, #tpu.memory_space<hbm>>) dst(%arg7 : memref<1024xi32, #tpu.memory_space<vmem>>)
      tpu.yield
    }) : () -> ()
    "tpu.region"() ({
      %run_scoped3A = tpu.sem_alloc : memref<!tpu.dma_semaphore, #tpu.memory_space<semaphore_mem>>
      %dma_start3A_278 = arith.constant 0 : i32
      %dma_start3A_279 = tpu.memref_slice %arg3[%add3A, %dma_start3A_278] : memref<32x512xf32, #tpu.memory_space<hbm>> -> memref<1x512xf32, #tpu.memory_space<hbm>>
      %dma_start3A_280 = tpu.memref_squeeze %dma_start3A_279 : memref<1x512xf32, #tpu.memory_space<hbm>> -> memref<512xf32, #tpu.memory_space<hbm>>
      %dma_start3A_281 = arith.constant 0 : i32
      %dma_start3A_282 = tpu.memref_slice %arg3[%add3A, %dma_start3A_281] : memref<32x512xf32, #tpu.memory_space<hbm>> -> memref<1x512xf32, #tpu.memory_space<hbm>>
      %dma_start3A_283 = tpu.memref_squeeze %dma_start3A_282 : memref<1x512xf32, #tpu.memory_space<hbm>> -> memref<512xf32, #tpu.memory_space<hbm>>
      tpu.enqueue_dma source(%dma_start3A_283 : memref<512xf32, #tpu.memory_space<hbm>>) target(%arg8 : memref<512xf32, #tpu.memory_space<vmem>>) target_semaphore(%run_scoped3A : memref<!tpu.dma_semaphore, #tpu.memory_space<semaphore_mem>>)
      %dma_wait3A_284 = arith.constant 0 : i32
      %dma_wait3A_285 = tpu.memref_slice %arg3[%add3A, %dma_wait3A_284] : memref<32x512xf32, #tpu.memory_space<hbm>> -> memref<1x512xf32, #tpu.memory_space<hbm>>
      %dma_wait3A_286 = tpu.memref_squeeze %dma_wait3A_285 : memref<1x512xf32, #tpu.memory_space<hbm>> -> memref<512xf32, #tpu.memory_space<hbm>>
      %dma_wait3A_287 = arith.constant 0 : i32
      %dma_wait3A_288 = tpu.memref_slice %arg3[%add3A, %dma_wait3A_287] : memref<32x512xf32, #tpu.memory_space<hbm>> -> memref<1x512xf32, #tpu.memory_space<hbm>>
      %dma_wait3A_289 = tpu.memref_squeeze %dma_wait3A_288 : memref<1x512xf32, #tpu.memory_space<hbm>> -> memref<512xf32, #tpu.memory_space<hbm>>
      tpu.wait_dma2 semaphore(%run_scoped3A : memref<!tpu.dma_semaphore, #tpu.memory_space<semaphore_mem>>) src(%dma_wait3A_289 : memref<512xf32, #tpu.memory_space<hbm>>) dst(%arg8 : memref<512xf32, #tpu.memory_space<vmem>>)
      tpu.yield
    }) : () -> ()
    %iota3A = tpu.iota {dimensions = array<i32: 0>} : vector<16xi32>
    %and3A = arith.constant 1 : i32
    %and3A_1 = vector.broadcast %and3A : i32 to vector<16xi32>
    %and3A_2 = arith.andi %iota3A, %and3A_1 : vector<16xi32>
    %add3A_3 = arith.constant 0 : i32
    %add3A_4 = vector.broadcast %add3A_3 : i32 to vector<16xi32>
    %add3A_5 = arith.addi %add3A_4, %and3A_2 : vector<16xi32>
    %gather3A = tpu.vector_load_idx %arg7[%add3A_5] : memref<1024xi32, #tpu.memory_space<vmem>>[vector<16xi32>], vector<16xi32>,
    %slice3A = vector.extract_strided_slice %gather3A {offsets = [0], sizes = [1], strides = [1]} : vector<16xi32> to vector<1xi32>
    %squeeze3A = vector.extract %slice3A[0] : i32 from vector<1xi32>
    %slice3A_6 = vector.extract_strided_slice %gather3A {offsets = [1], sizes = [1], strides = [1]} : vector<16xi32> to vector<1xi32>
    %squeeze3A_7 = vector.extract %slice3A_6[0] : i32 from vector<1xi32>
    %and3A_8 = arith.constant -128 : i32
    %and3A_9 = arith.andi %squeeze3A, %and3A_8 : i32
    %multiple_of3A = tpu.assume_multiple %and3A_9, 128 : i32
    %and3A_10 = arith.constant -128 : i32
    %and3A_11 = arith.andi %squeeze3A_7, %and3A_10 : i32
    %multiple_of3A_12 = tpu.assume_multiple %and3A_11, 128 : i32
    %dma_start3A = arith.constant 0 : i32
    %dma_start3A_13 = tpu.memref_slice %arg4[%dma_start3A, %multiple_of3A] : memref<32x1000000xf32, #tpu.memory_space<hbm>> -> memref<32x128xf32, #tpu.memory_space<hbm>>
    %dma_start3A_14 = arith.constant 0 : i32
    %dma_start3A_15 = tpu.memref_slice %arg4[%dma_start3A_14, %multiple_of3A] : memref<32x1000000xf32, #tpu.memory_space<hbm>> -> memref<32x128xf32, #tpu.memory_space<hbm>>
    tpu.enqueue_dma source(%dma_start3A_15 : memref<32x128xf32, #tpu.memory_space<hbm>>) target(%arg12 : memref<32x128xf32, #tpu.memory_space<vmem>>) target_semaphore(%arg28 : memref<!tpu.dma_semaphore, #tpu.memory_space<semaphore_mem>>)
    %dma_start3A_16 = arith.constant 0 : i32
    %dma_start3A_17 = tpu.memref_slice %arg5[%dma_start3A_16, %multiple_of3A_12] : memref<32x1000000xf32, #tpu.memory_space<hbm>> -> memref<32x128xf32, #tpu.memory_space<hbm>>
    %dma_start3A_18 = arith.constant 0 : i32
    %dma_start3A_19 = tpu.memref_slice %arg5[%dma_start3A_18, %multiple_of3A_12] : memref<32x1000000xf32, #tpu.memory_space<hbm>> -> memref<32x128xf32, #tpu.memory_space<hbm>>
    tpu.enqueue_dma source(%dma_start3A_19 : memref<32x128xf32, #tpu.memory_space<hbm>>) target(%arg20 : memref<32x128xf32, #tpu.memory_space<vmem>>) target_semaphore(%arg29 : memref<!tpu.dma_semaphore, #tpu.memory_space<semaphore_mem>>)
    %add3A_20 = arith.constant 2 : i32
    %add3A_21 = vector.broadcast %add3A_20 : i32 to vector<16xi32>
    %add3A_22 = arith.addi %add3A_21, %and3A_2 : vector<16xi32>
    %gather3A_23 = tpu.vector_load_idx %arg7[%add3A_22] : memref<1024xi32, #tpu.memory_space<vmem>>[vector<16xi32>], vector<16xi32>,
    %slice3A_24 = vector.extract_strided_slice %gather3A_23 {offsets = [0], sizes = [1], strides = [1]} : vector<16xi32> to vector<1xi32>
    %squeeze3A_25 = vector.extract %slice3A_24[0] : i32 from vector<1xi32>
    %slice3A_26 = vector.extract_strided_slice %gather3A_23 {offsets = [1], sizes = [1], strides = [1]} : vector<16xi32> to vector<1xi32>
    %squeeze3A_27 = vector.extract %slice3A_26[0] : i32 from vector<1xi32>
    %and3A_28 = arith.constant -128 : i32
    %and3A_29 = arith.andi %squeeze3A_25, %and3A_28 : i32
    %multiple_of3A_30 = tpu.assume_multiple %and3A_29, 128 : i32
    %and3A_31 = arith.constant -128 : i32
    %and3A_32 = arith.andi %squeeze3A_27, %and3A_31 : i32
    %multiple_of3A_33 = tpu.assume_multiple %and3A_32, 128 : i32
    %dma_start3A_34 = arith.constant 0 : i32
    %dma_start3A_35 = tpu.memref_slice %arg4[%dma_start3A_34, %multiple_of3A_30] : memref<32x1000000xf32, #tpu.memory_space<hbm>> -> memref<32x128xf32, #tpu.memory_space<hbm>>
    %dma_start3A_36 = arith.constant 0 : i32
    %dma_start3A_37 = tpu.memref_slice %arg4[%dma_start3A_36, %multiple_of3A_30] : memref<32x1000000xf32, #tpu.memory_space<hbm>> -> memref<32x128xf32, #tpu.memory_space<hbm>>
    tpu.enqueue_dma source(%dma_start3A_37 : memref<32x128xf32, #tpu.memory_space<hbm>>) target(%arg13 : memref<32x128xf32, #tpu.memory_space<vmem>>) target_semaphore(%arg28 : memref<!tpu.dma_semaphore, #tpu.memory_space<semaphore_mem>>)
    %dma_start3A_38 = arith.constant 0 : i32
    %dma_start3A_39 = tpu.memref_slice %arg5[%dma_start3A_38, %multiple_of3A_33] : memref<32x1000000xf32, #tpu.memory_space<hbm>> -> memref<32x128xf32, #tpu.memory_space<hbm>>
    %dma_start3A_40 = arith.constant 0 : i32
    %dma_start3A_41 = tpu.memref_slice %arg5[%dma_start3A_40, %multiple_of3A_33] : memref<32x1000000xf32, #tpu.memory_space<hbm>> -> memref<32x128xf32, #tpu.memory_space<hbm>>
    tpu.enqueue_dma source(%dma_start3A_41 : memref<32x128xf32, #tpu.memory_space<hbm>>) target(%arg21 : memref<32x128xf32, #tpu.memory_space<vmem>>) target_semaphore(%arg29 : memref<!tpu.dma_semaphore, #tpu.memory_space<semaphore_mem>>)
    %add3A_42 = arith.constant 4 : i32
    %add3A_43 = vector.broadcast %add3A_42 : i32 to vector<16xi32>
    %add3A_44 = arith.addi %add3A_43, %and3A_2 : vector<16xi32>
    %gather3A_45 = tpu.vector_load_idx %arg7[%add3A_44] : memref<1024xi32, #tpu.memory_space<vmem>>[vector<16xi32>], vector<16xi32>,
    %slice3A_46 = vector.extract_strided_slice %gather3A_45 {offsets = [0], sizes = [1], strides = [1]} : vector<16xi32> to vector<1xi32>
    %squeeze3A_47 = vector.extract %slice3A_46[0] : i32 from vector<1xi32>
    %slice3A_48 = vector.extract_strided_slice %gather3A_45 {offsets = [1], sizes = [1], strides = [1]} : vector<16xi32> to vector<1xi32>
    %squeeze3A_49 = vector.extract %slice3A_48[0] : i32 from vector<1xi32>
    %and3A_50 = arith.constant -128 : i32
    %and3A_51 = arith.andi %squeeze3A_47, %and3A_50 : i32
    %multiple_of3A_52 = tpu.assume_multiple %and3A_51, 128 : i32
    %and3A_53 = arith.constant -128 : i32
    %and3A_54 = arith.andi %squeeze3A_49, %and3A_53 : i32
    %multiple_of3A_55 = tpu.assume_multiple %and3A_54, 128 : i32
    %dma_start3A_56 = arith.constant 0 : i32
    %dma_start3A_57 = tpu.memref_slice %arg4[%dma_start3A_56, %multiple_of3A_52] : memref<32x1000000xf32, #tpu.memory_space<hbm>> -> memref<32x128xf32, #tpu.memory_space<hbm>>
    %dma_start3A_58 = arith.constant 0 : i32
    %dma_start3A_59 = tpu.memref_slice %arg4[%dma_start3A_58, %multiple_of3A_52] : memref<32x1000000xf32, #tpu.memory_space<hbm>> -> memref<32x128xf32, #tpu.memory_space<hbm>>
    tpu.enqueue_dma source(%dma_start3A_59 : memref<32x128xf32, #tpu.memory_space<hbm>>) target(%arg14 : memref<32x128xf32, #tpu.memory_space<vmem>>) target_semaphore(%arg28 : memref<!tpu.dma_semaphore, #tpu.memory_space<semaphore_mem>>)
    %dma_start3A_60 = arith.constant 0 : i32
    %dma_start3A_61 = tpu.memref_slice %arg5[%dma_start3A_60, %multiple_of3A_55] : memref<32x1000000xf32, #tpu.memory_space<hbm>> -> memref<32x128xf32, #tpu.memory_space<hbm>>
    %dma_start3A_62 = arith.constant 0 : i32
    %dma_start3A_63 = tpu.memref_slice %arg5[%dma_start3A_62, %multiple_of3A_55] : memref<32x1000000xf32, #tpu.memory_space<hbm>> -> memref<32x128xf32, #tpu.memory_space<hbm>>
    tpu.enqueue_dma source(%dma_start3A_63 : memref<32x128xf32, #tpu.memory_space<hbm>>) target(%arg22 : memref<32x128xf32, #tpu.memory_space<vmem>>) target_semaphore(%arg29 : memref<!tpu.dma_semaphore, #tpu.memory_space<semaphore_mem>>)
    %add3A_64 = arith.constant 6 : i32
    %add3A_65 = vector.broadcast %add3A_64 : i32 to vector<16xi32>
    %add3A_66 = arith.addi %add3A_65, %and3A_2 : vector<16xi32>
    %gather3A_67 = tpu.vector_load_idx %arg7[%add3A_66] : memref<1024xi32, #tpu.memory_space<vmem>>[vector<16xi32>], vector<16xi32>,
    %slice3A_68 = vector.extract_strided_slice %gather3A_67 {offsets = [0], sizes = [1], strides = [1]} : vector<16xi32> to vector<1xi32>
    %squeeze3A_69 = vector.extract %slice3A_68[0] : i32 from vector<1xi32>
    %slice3A_70 = vector.extract_strided_slice %gather3A_67 {offsets = [1], sizes = [1], strides = [1]} : vector<16xi32> to vector<1xi32>
    %squeeze3A_71 = vector.extract %slice3A_70[0] : i32 from vector<1xi32>
    %and3A_72 = arith.constant -128 : i32
    %and3A_73 = arith.andi %squeeze3A_69, %and3A_72 : i32
    %multiple_of3A_74 = tpu.assume_multiple %and3A_73, 128 : i32
    %and3A_75 = arith.constant -128 : i32
    %and3A_76 = arith.andi %squeeze3A_71, %and3A_75 : i32
    %multiple_of3A_77 = tpu.assume_multiple %and3A_76, 128 : i32
    %dma_start3A_78 = arith.constant 0 : i32
    %dma_start3A_79 = tpu.memref_slice %arg4[%dma_start3A_78, %multiple_of3A_74] : memref<32x1000000xf32, #tpu.memory_space<hbm>> -> memref<32x128xf32, #tpu.memory_space<hbm>>
    %dma_start3A_80 = arith.constant 0 : i32
    %dma_start3A_81 = tpu.memref_slice %arg4[%dma_start3A_80, %multiple_of3A_74] : memref<32x1000000xf32, #tpu.memory_space<hbm>> -> memref<32x128xf32, #tpu.memory_space<hbm>>
    tpu.enqueue_dma source(%dma_start3A_81 : memref<32x128xf32, #tpu.memory_space<hbm>>) target(%arg15 : memref<32x128xf32, #tpu.memory_space<vmem>>) target_semaphore(%arg28 : memref<!tpu.dma_semaphore, #tpu.memory_space<semaphore_mem>>)
    %dma_start3A_82 = arith.constant 0 : i32
    %dma_start3A_83 = tpu.memref_slice %arg5[%dma_start3A_82, %multiple_of3A_77] : memref<32x1000000xf32, #tpu.memory_space<hbm>> -> memref<32x128xf32, #tpu.memory_space<hbm>>
    %dma_start3A_84 = arith.constant 0 : i32
    %dma_start3A_85 = tpu.memref_slice %arg5[%dma_start3A_84, %multiple_of3A_77] : memref<32x1000000xf32, #tpu.memory_space<hbm>> -> memref<32x128xf32, #tpu.memory_space<hbm>>
    tpu.enqueue_dma source(%dma_start3A_85 : memref<32x128xf32, #tpu.memory_space<hbm>>) target(%arg23 : memref<32x128xf32, #tpu.memory_space<vmem>>) target_semaphore(%arg29 : memref<!tpu.dma_semaphore, #tpu.memory_space<semaphore_mem>>)
    %add3A_86 = arith.constant 8 : i32
    %add3A_87 = vector.broadcast %add3A_86 : i32 to vector<16xi32>
    %add3A_88 = arith.addi %add3A_87, %and3A_2 : vector<16xi32>
    %gather3A_89 = tpu.vector_load_idx %arg7[%add3A_88] : memref<1024xi32, #tpu.memory_space<vmem>>[vector<16xi32>], vector<16xi32>,
    %slice3A_90 = vector.extract_strided_slice %gather3A_89 {offsets = [0], sizes = [1], strides = [1]} : vector<16xi32> to vector<1xi32>
    %squeeze3A_91 = vector.extract %slice3A_90[0] : i32 from vector<1xi32>
    %slice3A_92 = vector.extract_strided_slice %gather3A_89 {offsets = [1], sizes = [1], strides = [1]} : vector<16xi32> to vector<1xi32>
    %squeeze3A_93 = vector.extract %slice3A_92[0] : i32 from vector<1xi32>
    %and3A_94 = arith.constant -128 : i32
    %and3A_95 = arith.andi %squeeze3A_91, %and3A_94 : i32
    %multiple_of3A_96 = tpu.assume_multiple %and3A_95, 128 : i32
    %and3A_97 = arith.constant -128 : i32
    %and3A_98 = arith.andi %squeeze3A_93, %and3A_97 : i32
    %multiple_of3A_99 = tpu.assume_multiple %and3A_98, 128 : i32
    %dma_start3A_100 = arith.constant 0 : i32
    %dma_start3A_101 = tpu.memref_slice %arg4[%dma_start3A_100, %multiple_of3A_96] : memref<32x1000000xf32, #tpu.memory_space<hbm>> -> memref<32x128xf32, #tpu.memory_space<hbm>>
    %dma_start3A_102 = arith.constant 0 : i32
    %dma_start3A_103 = tpu.memref_slice %arg4[%dma_start3A_102, %multiple_of3A_96] : memref<32x1000000xf32, #tpu.memory_space<hbm>> -> memref<32x128xf32, #tpu.memory_space<hbm>>
    tpu.enqueue_dma source(%dma_start3A_103 : memref<32x128xf32, #tpu.memory_space<hbm>>) target(%arg16 : memref<32x128xf32, #tpu.memory_space<vmem>>) target_semaphore(%arg28 : memref<!tpu.dma_semaphore, #tpu.memory_space<semaphore_mem>>)
    %dma_start3A_104 = arith.constant 0 : i32
    %dma_start3A_105 = tpu.memref_slice %arg5[%dma_start3A_104, %multiple_of3A_99] : memref<32x1000000xf32, #tpu.memory_space<hbm>> -> memref<32x128xf32, #tpu.memory_space<hbm>>
    %dma_start3A_106 = arith.constant 0 : i32
    %dma_start3A_107 = tpu.memref_slice %arg5[%dma_start3A_106, %multiple_of3A_99] : memref<32x1000000xf32, #tpu.memory_space<hbm>> -> memref<32x128xf32, #tpu.memory_space<hbm>>
    tpu.enqueue_dma source(%dma_start3A_107 : memref<32x128xf32, #tpu.memory_space<hbm>>) target(%arg24 : memref<32x128xf32, #tpu.memory_space<vmem>>) target_semaphore(%arg29 : memref<!tpu.dma_semaphore, #tpu.memory_space<semaphore_mem>>)
    %add3A_108 = arith.constant 10 : i32
    %add3A_109 = vector.broadcast %add3A_108 : i32 to vector<16xi32>
    %add3A_110 = arith.addi %add3A_109, %and3A_2 : vector<16xi32>
    %gather3A_111 = tpu.vector_load_idx %arg7[%add3A_110] : memref<1024xi32, #tpu.memory_space<vmem>>[vector<16xi32>], vector<16xi32>,
    %slice3A_112 = vector.extract_strided_slice %gather3A_111 {offsets = [0], sizes = [1], strides = [1]} : vector<16xi32> to vector<1xi32>
    %squeeze3A_113 = vector.extract %slice3A_112[0] : i32 from vector<1xi32>
    %slice3A_114 = vector.extract_strided_slice %gather3A_111 {offsets = [1], sizes = [1], strides = [1]} : vector<16xi32> to vector<1xi32>
    %squeeze3A_115 = vector.extract %slice3A_114[0] : i32 from vector<1xi32>
    %and3A_116 = arith.constant -128 : i32
    %and3A_117 = arith.andi %squeeze3A_113, %and3A_116 : i32
    %multiple_of3A_118 = tpu.assume_multiple %and3A_117, 128 : i32
    %and3A_119 = arith.constant -128 : i32
    %and3A_120 = arith.andi %squeeze3A_115, %and3A_119 : i32
    %multiple_of3A_121 = tpu.assume_multiple %and3A_120, 128 : i32
    %dma_start3A_122 = arith.constant 0 : i32
    %dma_start3A_123 = tpu.memref_slice %arg4[%dma_start3A_122, %multiple_of3A_118] : memref<32x1000000xf32, #tpu.memory_space<hbm>> -> memref<32x128xf32, #tpu.memory_space<hbm>>
    %dma_start3A_124 = arith.constant 0 : i32
    %dma_start3A_125 = tpu.memref_slice %arg4[%dma_start3A_124, %multiple_of3A_118] : memref<32x1000000xf32, #tpu.memory_space<hbm>> -> memref<32x128xf32, #tpu.memory_space<hbm>>
    tpu.enqueue_dma source(%dma_start3A_125 : memref<32x128xf32, #tpu.memory_space<hbm>>) target(%arg17 : memref<32x128xf32, #tpu.memory_space<vmem>>) target_semaphore(%arg28 : memref<!tpu.dma_semaphore, #tpu.memory_space<semaphore_mem>>)
    %dma_start3A_126 = arith.constant 0 : i32
    %dma_start3A_127 = tpu.memref_slice %arg5[%dma_start3A_126, %multiple_of3A_121] : memref<32x1000000xf32, #tpu.memory_space<hbm>> -> memref<32x128xf32, #tpu.memory_space<hbm>>
    %dma_start3A_128 = arith.constant 0 : i32
    %dma_start3A_129 = tpu.memref_slice %arg5[%dma_start3A_128, %multiple_of3A_121] : memref<32x1000000xf32, #tpu.memory_space<hbm>> -> memref<32x128xf32, #tpu.memory_space<hbm>>
    tpu.enqueue_dma source(%dma_start3A_129 : memref<32x128xf32, #tpu.memory_space<hbm>>) target(%arg25 : memref<32x128xf32, #tpu.memory_space<vmem>>) target_semaphore(%arg29 : memref<!tpu.dma_semaphore, #tpu.memory_space<semaphore_mem>>)
    %add3A_130 = arith.constant 12 : i32
    %add3A_131 = vector.broadcast %add3A_130 : i32 to vector<16xi32>
    %add3A_132 = arith.addi %add3A_131, %and3A_2 : vector<16xi32>
    %gather3A_133 = tpu.vector_load_idx %arg7[%add3A_132] : memref<1024xi32, #tpu.memory_space<vmem>>[vector<16xi32>], vector<16xi32>,
    %slice3A_134 = vector.extract_strided_slice %gather3A_133 {offsets = [0], sizes = [1], strides = [1]} : vector<16xi32> to vector<1xi32>
    %squeeze3A_135 = vector.extract %slice3A_134[0] : i32 from vector<1xi32>
    %slice3A_136 = vector.extract_strided_slice %gather3A_133 {offsets = [1], sizes = [1], strides = [1]} : vector<16xi32> to vector<1xi32>
    %squeeze3A_137 = vector.extract %slice3A_136[0] : i32 from vector<1xi32>
    %and3A_138 = arith.constant -128 : i32
    %and3A_139 = arith.andi %squeeze3A_135, %and3A_138 : i32
    %multiple_of3A_140 = tpu.assume_multiple %and3A_139, 128 : i32
    %and3A_141 = arith.constant -128 : i32
    %and3A_142 = arith.andi %squeeze3A_137, %and3A_141 : i32
    %multiple_of3A_143 = tpu.assume_multiple %and3A_142, 128 : i32
    %dma_start3A_144 = arith.constant 0 : i32
    %dma_start3A_145 = tpu.memref_slice %arg4[%dma_start3A_144, %multiple_of3A_140] : memref<32x1000000xf32, #tpu.memory_space<hbm>> -> memref<32x128xf32, #tpu.memory_space<hbm>>
    %dma_start3A_146 = arith.constant 0 : i32
    %dma_start3A_147 = tpu.memref_slice %arg4[%dma_start3A_146, %multiple_of3A_140] : memref<32x1000000xf32, #tpu.memory_space<hbm>> -> memref<32x128xf32, #tpu.memory_space<hbm>>
    tpu.enqueue_dma source(%dma_start3A_147 : memref<32x128xf32, #tpu.memory_space<hbm>>) target(%arg18 : memref<32x128xf32, #tpu.memory_space<vmem>>) target_semaphore(%arg28 : memref<!tpu.dma_semaphore, #tpu.memory_space<semaphore_mem>>)
    %dma_start3A_148 = arith.constant 0 : i32
    %dma_start3A_149 = tpu.memref_slice %arg5[%dma_start3A_148, %multiple_of3A_143] : memref<32x1000000xf32, #tpu.memory_space<hbm>> -> memref<32x128xf32, #tpu.memory_space<hbm>>
    %dma_start3A_150 = arith.constant 0 : i32
    %dma_start3A_151 = tpu.memref_slice %arg5[%dma_start3A_150, %multiple_of3A_143] : memref<32x1000000xf32, #tpu.memory_space<hbm>> -> memref<32x128xf32, #tpu.memory_space<hbm>>
    tpu.enqueue_dma source(%dma_start3A_151 : memref<32x128xf32, #tpu.memory_space<hbm>>) target(%arg26 : memref<32x128xf32, #tpu.memory_space<vmem>>) target_semaphore(%arg29 : memref<!tpu.dma_semaphore, #tpu.memory_space<semaphore_mem>>)
    %add3A_152 = arith.constant 14 : i32
    %add3A_153 = vector.broadcast %add3A_152 : i32 to vector<16xi32>
    %add3A_154 = arith.addi %add3A_153, %and3A_2 : vector<16xi32>
    %gather3A_155 = tpu.vector_load_idx %arg7[%add3A_154] : memref<1024xi32, #tpu.memory_space<vmem>>[vector<16xi32>], vector<16xi32>,
    %slice3A_156 = vector.extract_strided_slice %gather3A_155 {offsets = [0], sizes = [1], strides = [1]} : vector<16xi32> to vector<1xi32>
    %squeeze3A_157 = vector.extract %slice3A_156[0] : i32 from vector<1xi32>
    %slice3A_158 = vector.extract_strided_slice %gather3A_155 {offsets = [1], sizes = [1], strides = [1]} : vector<16xi32> to vector<1xi32>
    %squeeze3A_159 = vector.extract %slice3A_158[0] : i32 from vector<1xi32>
    %and3A_160 = arith.constant -128 : i32
    %and3A_161 = arith.andi %squeeze3A_157, %and3A_160 : i32
    %multiple_of3A_162 = tpu.assume_multiple %and3A_161, 128 : i32
    %and3A_163 = arith.constant -128 : i32
    %and3A_164 = arith.andi %squeeze3A_159, %and3A_163 : i32
    %multiple_of3A_165 = tpu.assume_multiple %and3A_164, 128 : i32
    %dma_start3A_166 = arith.constant 0 : i32
    %dma_start3A_167 = tpu.memref_slice %arg4[%dma_start3A_166, %multiple_of3A_162] : memref<32x1000000xf32, #tpu.memory_space<hbm>> -> memref<32x128xf32, #tpu.memory_space<hbm>>
    %dma_start3A_168 = arith.constant 0 : i32
    %dma_start3A_169 = tpu.memref_slice %arg4[%dma_start3A_168, %multiple_of3A_162] : memref<32x1000000xf32, #tpu.memory_space<hbm>> -> memref<32x128xf32, #tpu.memory_space<hbm>>
    tpu.enqueue_dma source(%dma_start3A_169 : memref<32x128xf32, #tpu.memory_space<hbm>>) target(%arg19 : memref<32x128xf32, #tpu.memory_space<vmem>>) target_semaphore(%arg28 : memref<!tpu.dma_semaphore, #tpu.memory_space<semaphore_mem>>)
    %dma_start3A_170 = arith.constant 0 : i32
    %dma_start3A_171 = tpu.memref_slice %arg5[%dma_start3A_170, %multiple_of3A_165] : memref<32x1000000xf32, #tpu.memory_space<hbm>> -> memref<32x128xf32, #tpu.memory_space<hbm>>
    %dma_start3A_172 = arith.constant 0 : i32
    %dma_start3A_173 = tpu.memref_slice %arg5[%dma_start3A_172, %multiple_of3A_165] : memref<32x1000000xf32, #tpu.memory_space<hbm>> -> memref<32x128xf32, #tpu.memory_space<hbm>>
    tpu.enqueue_dma source(%dma_start3A_173 : memref<32x128xf32, #tpu.memory_space<hbm>>) target(%arg27 : memref<32x128xf32, #tpu.memory_space<vmem>>) target_semaphore(%arg29 : memref<!tpu.dma_semaphore, #tpu.memory_space<semaphore_mem>>)
    %scan3A = arith.constant 0 : i32
    %scan3A_174 = arith.constant 64 : i32
    %scan3A_175 = arith.addi %scan3A, %scan3A_174 : i32
    %scan3A_176 = arith.constant 1 : i32
    scf.for %scan3A_278 = %scan3A to %scan3A_175 step %scan3A_176  : i32 {
      %mul3A_279 = arith.constant 8 : i32
      %mul3A_280 = arith.muli %scan3A_278, %mul3A_279 : i32
      %add3A_281 = arith.constant 0 : i32
      %add3A_282 = arith.addi %add3A_281, %mul3A_280 : i32
      %add3A_283 = arith.constant 0 : i32
      %add3A_284 = arith.addi %add3A_282, %add3A_283 : i32
      %dma_wait3A_285 = arith.constant 0 : i32
      %dma_wait3A_286 = arith.constant 0 : i32
      %dma_wait3A_287 = tpu.memref_slice %arg4[%dma_wait3A_285, %dma_wait3A_286] : memref<32x1000000xf32, #tpu.memory_space<hbm>> -> memref<32x128xf32, #tpu.memory_space<hbm>>
      %dma_wait3A_288 = arith.constant 0 : i32
      %dma_wait3A_289 = arith.constant 0 : i32
      %dma_wait3A_290 = tpu.memref_slice %arg4[%dma_wait3A_288, %dma_wait3A_289] : memref<32x1000000xf32, #tpu.memory_space<hbm>> -> memref<32x128xf32, #tpu.memory_space<hbm>>
      tpu.wait_dma2 semaphore(%arg28 : memref<!tpu.dma_semaphore, #tpu.memory_space<semaphore_mem>>) src(%dma_wait3A_290 : memref<32x128xf32, #tpu.memory_space<hbm>>) dst(%arg12 : memref<32x128xf32, #tpu.memory_space<vmem>>)
      %dma_wait3A_291 = arith.constant 0 : i32
      %dma_wait3A_292 = arith.constant 0 : i32
      %dma_wait3A_293 = tpu.memref_slice %arg5[%dma_wait3A_291, %dma_wait3A_292] : memref<32x1000000xf32, #tpu.memory_space<hbm>> -> memref<32x128xf32, #tpu.memory_space<hbm>>
      %dma_wait3A_294 = arith.constant 0 : i32
      %dma_wait3A_295 = arith.constant 0 : i32
      %dma_wait3A_296 = tpu.memref_slice %arg5[%dma_wait3A_294, %dma_wait3A_295] : memref<32x1000000xf32, #tpu.memory_space<hbm>> -> memref<32x128xf32, #tpu.memory_space<hbm>>
      tpu.wait_dma2 semaphore(%arg29 : memref<!tpu.dma_semaphore, #tpu.memory_space<semaphore_mem>>) src(%dma_wait3A_296 : memref<32x128xf32, #tpu.memory_space<hbm>>) dst(%arg20 : memref<32x128xf32, #tpu.memory_space<vmem>>)
      %mul3A_297 = arith.constant 2 : i32
      %mul3A_298 = arith.muli %mul3A_297, %add3A_284 : i32
      %add3A_299 = vector.broadcast %mul3A_298 : i32 to vector<16xi32>
      %add3A_300 = arith.addi %add3A_299, %and3A_2 : vector<16xi32>
      %gather3A_301 = tpu.vector_load_idx %arg7[%add3A_300] : memref<1024xi32, #tpu.memory_space<vmem>>[vector<16xi32>], vector<16xi32>,
      %slice3A_302 = vector.extract_strided_slice %gather3A_301 {offsets = [0], sizes = [1], strides = [1]} : vector<16xi32> to vector<1xi32>
      %squeeze3A_303 = vector.extract %slice3A_302[0] : i32 from vector<1xi32>
      %slice3A_304 = vector.extract_strided_slice %gather3A_301 {offsets = [1], sizes = [1], strides = [1]} : vector<16xi32> to vector<1xi32>
      %squeeze3A_305 = vector.extract %slice3A_304[0] : i32 from vector<1xi32>
      %and3A_306 = arith.constant 127 : i32
      %and3A_307 = arith.andi %squeeze3A_303, %and3A_306 : i32
      %broadcast_in_dim3A = vector.broadcast %and3A_307 : i32 to vector<16xi32>
      %and3A_308 = arith.constant 127 : i32
      %and3A_309 = arith.andi %squeeze3A_305, %and3A_308 : i32
      %broadcast_in_dim3A_310 = vector.broadcast %and3A_309 : i32 to vector<16xi32>
      %broadcast_in_dim3A_311 = vector.broadcast %add3A_284 : i32 to vector<16xi32>
      %gather3A_312 = tpu.vector_load_idx %arg12[%iota3A, %broadcast_in_dim3A] : memref<32x128xf32, #tpu.memory_space<vmem>>[vector<16xi32>, vector<16xi32>], vector<16xf32>,
      %add3A_313 = arith.constant 16 : i32
      %add3A_314 = vector.broadcast %add3A_313 : i32 to vector<16xi32>
      %add3A_315 = arith.addi %iota3A, %add3A_314 : vector<16xi32>
      %gather3A_316 = tpu.vector_load_idx %arg12[%add3A_315, %broadcast_in_dim3A] : memref<32x128xf32, #tpu.memory_space<vmem>>[vector<16xi32>, vector<16xi32>], vector<16xf32>,
      %gather3A_317 = tpu.vector_load_idx %arg20[%iota3A, %broadcast_in_dim3A_310] : memref<32x128xf32, #tpu.memory_space<vmem>>[vector<16xi32>, vector<16xi32>], vector<16xf32>,
      %add3A_318 = arith.constant 16 : i32
      %add3A_319 = vector.broadcast %add3A_318 : i32 to vector<16xi32>
      %add3A_320 = arith.addi %iota3A, %add3A_319 : vector<16xi32>
      %gather3A_321 = tpu.vector_load_idx %arg20[%add3A_320, %broadcast_in_dim3A_310] : memref<32x128xf32, #tpu.memory_space<vmem>>[vector<16xi32>, vector<16xi32>], vector<16xf32>,
      tpu.vector_store_idx %arg9[%iota3A, %broadcast_in_dim3A_311], %gather3A_312 : memref<32x512xf32, #tpu.memory_space<vmem>>[vector<16xi32>, vector<16xi32>], vector<16xf32>,
      %add3A_322 = arith.constant 16 : i32
      %add3A_323 = vector.broadcast %add3A_322 : i32 to vector<16xi32>
      %add3A_324 = arith.addi %iota3A, %add3A_323 : vector<16xi32>
      tpu.vector_store_idx %arg9[%add3A_324, %broadcast_in_dim3A_311], %gather3A_316 : memref<32x512xf32, #tpu.memory_space<vmem>>[vector<16xi32>, vector<16xi32>], vector<16xf32>,
      tpu.vector_store_idx %arg10[%iota3A, %broadcast_in_dim3A_311], %gather3A_317 : memref<32x512xf32, #tpu.memory_space<vmem>>[vector<16xi32>, vector<16xi32>], vector<16xf32>,
      %add3A_325 = arith.constant 16 : i32
      %add3A_326 = vector.broadcast %add3A_325 : i32 to vector<16xi32>
      %add3A_327 = arith.addi %iota3A, %add3A_326 : vector<16xi32>
      tpu.vector_store_idx %arg10[%add3A_327, %broadcast_in_dim3A_311], %gather3A_321 : memref<32x512xf32, #tpu.memory_space<vmem>>[vector<16xi32>, vector<16xi32>], vector<16xf32>,
      %add3A_328 = arith.constant 8 : i32
      %add3A_329 = arith.addi %add3A_284, %add3A_328 : i32
      %min3A = arith.constant 511 : i32
      %min3A_330 = arith.minsi %add3A_329, %min3A : i32
      %mul3A_331 = arith.constant 2 : i32
      %mul3A_332 = arith.muli %mul3A_331, %min3A_330 : i32
      %add3A_333 = vector.broadcast %mul3A_332 : i32 to vector<16xi32>
      %add3A_334 = arith.addi %add3A_333, %and3A_2 : vector<16xi32>
      %gather3A_335 = tpu.vector_load_idx %arg7[%add3A_334] : memref<1024xi32, #tpu.memory_space<vmem>>[vector<16xi32>], vector<16xi32>,
      %slice3A_336 = vector.extract_strided_slice %gather3A_335 {offsets = [0], sizes = [1], strides = [1]} : vector<16xi32> to vector<1xi32>
      %squeeze3A_337 = vector.extract %slice3A_336[0] : i32 from vector<1xi32>
      %slice3A_338 = vector.extract_strided_slice %gather3A_335 {offsets = [1], sizes = [1], strides = [1]} : vector<16xi32> to vector<1xi32>
      %squeeze3A_339 = vector.extract %slice3A_338[0] : i32 from vector<1xi32>
      %and3A_340 = arith.constant -128 : i32
      %and3A_341 = arith.andi %squeeze3A_337, %and3A_340 : i32
      %multiple_of3A_342 = tpu.assume_multiple %and3A_341, 128 : i32
      %and3A_343 = arith.constant -128 : i32
      %and3A_344 = arith.andi %squeeze3A_339, %and3A_343 : i32
      %multiple_of3A_345 = tpu.assume_multiple %and3A_344, 128 : i32
      %dma_start3A_346 = arith.constant 0 : i32
      %dma_start3A_347 = tpu.memref_slice %arg4[%dma_start3A_346, %multiple_of3A_342] : memref<32x1000000xf32, #tpu.memory_space<hbm>> -> memref<32x128xf32, #tpu.memory_space<hbm>>
      %dma_start3A_348 = arith.constant 0 : i32
      %dma_start3A_349 = tpu.memref_slice %arg4[%dma_start3A_348, %multiple_of3A_342] : memref<32x1000000xf32, #tpu.memory_space<hbm>> -> memref<32x128xf32, #tpu.memory_space<hbm>>
      tpu.enqueue_dma source(%dma_start3A_349 : memref<32x128xf32, #tpu.memory_space<hbm>>) target(%arg12 : memref<32x128xf32, #tpu.memory_space<vmem>>) target_semaphore(%arg28 : memref<!tpu.dma_semaphore, #tpu.memory_space<semaphore_mem>>)
      %dma_start3A_350 = arith.constant 0 : i32
      %dma_start3A_351 = tpu.memref_slice %arg5[%dma_start3A_350, %multiple_of3A_345] : memref<32x1000000xf32, #tpu.memory_space<hbm>> -> memref<32x128xf32, #tpu.memory_space<hbm>>
      %dma_start3A_352 = arith.constant 0 : i32
      %dma_start3A_353 = tpu.memref_slice %arg5[%dma_start3A_352, %multiple_of3A_345] : memref<32x1000000xf32, #tpu.memory_space<hbm>> -> memref<32x128xf32, #tpu.memory_space<hbm>>
      tpu.enqueue_dma source(%dma_start3A_353 : memref<32x128xf32, #tpu.memory_space<hbm>>) target(%arg20 : memref<32x128xf32, #tpu.memory_space<vmem>>) target_semaphore(%arg29 : memref<!tpu.dma_semaphore, #tpu.memory_space<semaphore_mem>>)
      %add3A_354 = arith.constant 1 : i32
      %add3A_355 = arith.addi %add3A_282, %add3A_354 : i32
      %dma_wait3A_356 = arith.constant 0 : i32
      %dma_wait3A_357 = arith.constant 0 : i32
      %dma_wait3A_358 = tpu.memref_slice %arg4[%dma_wait3A_356, %dma_wait3A_357] : memref<32x1000000xf32, #tpu.memory_space<hbm>> -> memref<32x128xf32, #tpu.memory_space<hbm>>
      %dma_wait3A_359 = arith.constant 0 : i32
      %dma_wait3A_360 = arith.constant 0 : i32
      %dma_wait3A_361 = tpu.memref_slice %arg4[%dma_wait3A_359, %dma_wait3A_360] : memref<32x1000000xf32, #tpu.memory_space<hbm>> -> memref<32x128xf32, #tpu.memory_space<hbm>>
      tpu.wait_dma2 semaphore(%arg28 : memref<!tpu.dma_semaphore, #tpu.memory_space<semaphore_mem>>) src(%dma_wait3A_361 : memref<32x128xf32, #tpu.memory_space<hbm>>) dst(%arg13 : memref<32x128xf32, #tpu.memory_space<vmem>>)
      %dma_wait3A_362 = arith.constant 0 : i32
      %dma_wait3A_363 = arith.constant 0 : i32
      %dma_wait3A_364 = tpu.memref_slice %arg5[%dma_wait3A_362, %dma_wait3A_363] : memref<32x1000000xf32, #tpu.memory_space<hbm>> -> memref<32x128xf32, #tpu.memory_space<hbm>>
      %dma_wait3A_365 = arith.constant 0 : i32
      %dma_wait3A_366 = arith.constant 0 : i32
      %dma_wait3A_367 = tpu.memref_slice %arg5[%dma_wait3A_365, %dma_wait3A_366] : memref<32x1000000xf32, #tpu.memory_space<hbm>> -> memref<32x128xf32, #tpu.memory_space<hbm>>
      tpu.wait_dma2 semaphore(%arg29 : memref<!tpu.dma_semaphore, #tpu.memory_space<semaphore_mem>>) src(%dma_wait3A_367 : memref<32x128xf32, #tpu.memory_space<hbm>>) dst(%arg21 : memref<32x128xf32, #tpu.memory_space<vmem>>)
      %mul3A_368 = arith.constant 2 : i32
      %mul3A_369 = arith.muli %mul3A_368, %add3A_355 : i32
      %add3A_370 = vector.broadcast %mul3A_369 : i32 to vector<16xi32>
      %add3A_371 = arith.addi %add3A_370, %and3A_2 : vector<16xi32>
      %gather3A_372 = tpu.vector_load_idx %arg7[%add3A_371] : memref<1024xi32, #tpu.memory_space<vmem>>[vector<16xi32>], vector<16xi32>,
      %slice3A_373 = vector.extract_strided_slice %gather3A_372 {offsets = [0], sizes = [1], strides = [1]} : vector<16xi32> to vector<1xi32>
      %squeeze3A_374 = vector.extract %slice3A_373[0] : i32 from vector<1xi32>
      %slice3A_375 = vector.extract_strided_slice %gather3A_372 {offsets = [1], sizes = [1], strides = [1]} : vector<16xi32> to vector<1xi32>
      %squeeze3A_376 = vector.extract %slice3A_375[0] : i32 from vector<1xi32>
      %and3A_377 = arith.constant 127 : i32
      %and3A_378 = arith.andi %squeeze3A_374, %and3A_377 : i32
      %broadcast_in_dim3A_379 = vector.broadcast %and3A_378 : i32 to vector<16xi32>
      %and3A_380 = arith.constant 127 : i32
      %and3A_381 = arith.andi %squeeze3A_376, %and3A_380 : i32
      %broadcast_in_dim3A_382 = vector.broadcast %and3A_381 : i32 to vector<16xi32>
      %broadcast_in_dim3A_383 = vector.broadcast %add3A_355 : i32 to vector<16xi32>
      %gather3A_384 = tpu.vector_load_idx %arg13[%iota3A, %broadcast_in_dim3A_379] : memref<32x128xf32, #tpu.memory_space<vmem>>[vector<16xi32>, vector<16xi32>], vector<16xf32>,
      %add3A_385 = arith.constant 16 : i32
      %add3A_386 = vector.broadcast %add3A_385 : i32 to vector<16xi32>
      %add3A_387 = arith.addi %iota3A, %add3A_386 : vector<16xi32>
      %gather3A_388 = tpu.vector_load_idx %arg13[%add3A_387, %broadcast_in_dim3A_379] : memref<32x128xf32, #tpu.memory_space<vmem>>[vector<16xi32>, vector<16xi32>], vector<16xf32>,
      %gather3A_389 = tpu.vector_load_idx %arg21[%iota3A, %broadcast_in_dim3A_382] : memref<32x128xf32, #tpu.memory_space<vmem>>[vector<16xi32>, vector<16xi32>], vector<16xf32>,
      %add3A_390 = arith.constant 16 : i32
      %add3A_391 = vector.broadcast %add3A_390 : i32 to vector<16xi32>
      %add3A_392 = arith.addi %iota3A, %add3A_391 : vector<16xi32>
      %gather3A_393 = tpu.vector_load_idx %arg21[%add3A_392, %broadcast_in_dim3A_382] : memref<32x128xf32, #tpu.memory_space<vmem>>[vector<16xi32>, vector<16xi32>], vector<16xf32>,
      tpu.vector_store_idx %arg9[%iota3A, %broadcast_in_dim3A_383], %gather3A_384 : memref<32x512xf32, #tpu.memory_space<vmem>>[vector<16xi32>, vector<16xi32>], vector<16xf32>,
      %add3A_394 = arith.constant 16 : i32
      %add3A_395 = vector.broadcast %add3A_394 : i32 to vector<16xi32>
      %add3A_396 = arith.addi %iota3A, %add3A_395 : vector<16xi32>
      tpu.vector_store_idx %arg9[%add3A_396, %broadcast_in_dim3A_383], %gather3A_388 : memref<32x512xf32, #tpu.memory_space<vmem>>[vector<16xi32>, vector<16xi32>], vector<16xf32>,
      tpu.vector_store_idx %arg10[%iota3A, %broadcast_in_dim3A_383], %gather3A_389 : memref<32x512xf32, #tpu.memory_space<vmem>>[vector<16xi32>, vector<16xi32>], vector<16xf32>,
      %add3A_397 = arith.constant 16 : i32
      %add3A_398 = vector.broadcast %add3A_397 : i32 to vector<16xi32>
      %add3A_399 = arith.addi %iota3A, %add3A_398 : vector<16xi32>
      tpu.vector_store_idx %arg10[%add3A_399, %broadcast_in_dim3A_383], %gather3A_393 : memref<32x512xf32, #tpu.memory_space<vmem>>[vector<16xi32>, vector<16xi32>], vector<16xf32>,
      %add3A_400 = arith.constant 8 : i32
      %add3A_401 = arith.addi %add3A_355, %add3A_400 : i32
      %min3A_402 = arith.constant 511 : i32
      %min3A_403 = arith.minsi %add3A_401, %min3A_402 : i32
      %mul3A_404 = arith.constant 2 : i32
      %mul3A_405 = arith.muli %mul3A_404, %min3A_403 : i32
      %add3A_406 = vector.broadcast %mul3A_405 : i32 to vector<16xi32>
      %add3A_407 = arith.addi %add3A_406, %and3A_2 : vector<16xi32>
      %gather3A_408 = tpu.vector_load_idx %arg7[%add3A_407] : memref<1024xi32, #tpu.memory_space<vmem>>[vector<16xi32>], vector<16xi32>,
      %slice3A_409 = vector.extract_strided_slice %gather3A_408 {offsets = [0], sizes = [1], strides = [1]} : vector<16xi32> to vector<1xi32>
      %squeeze3A_410 = vector.extract %slice3A_409[0] : i32 from vector<1xi32>
      %slice3A_411 = vector.extract_strided_slice %gather3A_408 {offsets = [1], sizes = [1], strides = [1]} : vector<16xi32> to vector<1xi32>
      %squeeze3A_412 = vector.extract %slice3A_411[0] : i32 from vector<1xi32>
      %and3A_413 = arith.constant -128 : i32
      %and3A_414 = arith.andi %squeeze3A_410, %and3A_413 : i32
      %multiple_of3A_415 = tpu.assume_multiple %and3A_414, 128 : i32
      %and3A_416 = arith.constant -128 : i32
      %and3A_417 = arith.andi %squeeze3A_412, %and3A_416 : i32
      %multiple_of3A_418 = tpu.assume_multiple %and3A_417, 128 : i32
      %dma_start3A_419 = arith.constant 0 : i32
      %dma_start3A_420 = tpu.memref_slice %arg4[%dma_start3A_419, %multiple_of3A_415] : memref<32x1000000xf32, #tpu.memory_space<hbm>> -> memref<32x128xf32, #tpu.memory_space<hbm>>
      %dma_start3A_421 = arith.constant 0 : i32
      %dma_start3A_422 = tpu.memref_slice %arg4[%dma_start3A_421, %multiple_of3A_415] : memref<32x1000000xf32, #tpu.memory_space<hbm>> -> memref<32x128xf32, #tpu.memory_space<hbm>>
      tpu.enqueue_dma source(%dma_start3A_422 : memref<32x128xf32, #tpu.memory_space<hbm>>) target(%arg13 : memref<32x128xf32, #tpu.memory_space<vmem>>) target_semaphore(%arg28 : memref<!tpu.dma_semaphore, #tpu.memory_space<semaphore_mem>>)
      %dma_start3A_423 = arith.constant 0 : i32
      %dma_start3A_424 = tpu.memref_slice %arg5[%dma_start3A_423, %multiple_of3A_418] : memref<32x1000000xf32, #tpu.memory_space<hbm>> -> memref<32x128xf32, #tpu.memory_space<hbm>>
      %dma_start3A_425 = arith.constant 0 : i32
      %dma_start3A_426 = tpu.memref_slice %arg5[%dma_start3A_425, %multiple_of3A_418] : memref<32x1000000xf32, #tpu.memory_space<hbm>> -> memref<32x128xf32, #tpu.memory_space<hbm>>
      tpu.enqueue_dma source(%dma_start3A_426 : memref<32x128xf32, #tpu.memory_space<hbm>>) target(%arg21 : memref<32x128xf32, #tpu.memory_space<vmem>>) target_semaphore(%arg29 : memref<!tpu.dma_semaphore, #tpu.memory_space<semaphore_mem>>)
      %add3A_427 = arith.constant 2 : i32
      %add3A_428 = arith.addi %add3A_282, %add3A_427 : i32
      %dma_wait3A_429 = arith.constant 0 : i32
      %dma_wait3A_430 = arith.constant 0 : i32
      %dma_wait3A_431 = tpu.memref_slice %arg4[%dma_wait3A_429, %dma_wait3A_430] : memref<32x1000000xf32, #tpu.memory_space<hbm>> -> memref<32x128xf32, #tpu.memory_space<hbm>>
      %dma_wait3A_432 = arith.constant 0 : i32
      %dma_wait3A_433 = arith.constant 0 : i32
      %dma_wait3A_434 = tpu.memref_slice %arg4[%dma_wait3A_432, %dma_wait3A_433] : memref<32x1000000xf32, #tpu.memory_space<hbm>> -> memref<32x128xf32, #tpu.memory_space<hbm>>
      tpu.wait_dma2 semaphore(%arg28 : memref<!tpu.dma_semaphore, #tpu.memory_space<semaphore_mem>>) src(%dma_wait3A_434 : memref<32x128xf32, #tpu.memory_space<hbm>>) dst(%arg14 : memref<32x128xf32, #tpu.memory_space<vmem>>)
      %dma_wait3A_435 = arith.constant 0 : i32
      %dma_wait3A_436 = arith.constant 0 : i32
      %dma_wait3A_437 = tpu.memref_slice %arg5[%dma_wait3A_435, %dma_wait3A_436] : memref<32x1000000xf32, #tpu.memory_space<hbm>> -> memref<32x128xf32, #tpu.memory_space<hbm>>
      %dma_wait3A_438 = arith.constant 0 : i32
      %dma_wait3A_439 = arith.constant 0 : i32
      %dma_wait3A_440 = tpu.memref_slice %arg5[%dma_wait3A_438, %dma_wait3A_439] : memref<32x1000000xf32, #tpu.memory_space<hbm>> -> memref<32x128xf32, #tpu.memory_space<hbm>>
      tpu.wait_dma2 semaphore(%arg29 : memref<!tpu.dma_semaphore, #tpu.memory_space<semaphore_mem>>) src(%dma_wait3A_440 : memref<32x128xf32, #tpu.memory_space<hbm>>) dst(%arg22 : memref<32x128xf32, #tpu.memory_space<vmem>>)
      %mul3A_441 = arith.constant 2 : i32
      %mul3A_442 = arith.muli %mul3A_441, %add3A_428 : i32
      %add3A_443 = vector.broadcast %mul3A_442 : i32 to vector<16xi32>
      %add3A_444 = arith.addi %add3A_443, %and3A_2 : vector<16xi32>
      %gather3A_445 = tpu.vector_load_idx %arg7[%add3A_444] : memref<1024xi32, #tpu.memory_space<vmem>>[vector<16xi32>], vector<16xi32>,
      %slice3A_446 = vector.extract_strided_slice %gather3A_445 {offsets = [0], sizes = [1], strides = [1]} : vector<16xi32> to vector<1xi32>
      %squeeze3A_447 = vector.extract %slice3A_446[0] : i32 from vector<1xi32>
      %slice3A_448 = vector.extract_strided_slice %gather3A_445 {offsets = [1], sizes = [1], strides = [1]} : vector<16xi32> to vector<1xi32>
      %squeeze3A_449 = vector.extract %slice3A_448[0] : i32 from vector<1xi32>
      %and3A_450 = arith.constant 127 : i32
      %and3A_451 = arith.andi %squeeze3A_447, %and3A_450 : i32
      %broadcast_in_dim3A_452 = vector.broadcast %and3A_451 : i32 to vector<16xi32>
      %and3A_453 = arith.constant 127 : i32
      %and3A_454 = arith.andi %squeeze3A_449, %and3A_453 : i32
      %broadcast_in_dim3A_455 = vector.broadcast %and3A_454 : i32 to vector<16xi32>
      %broadcast_in_dim3A_456 = vector.broadcast %add3A_428 : i32 to vector<16xi32>
      %gather3A_457 = tpu.vector_load_idx %arg14[%iota3A, %broadcast_in_dim3A_452] : memref<32x128xf32, #tpu.memory_space<vmem>>[vector<16xi32>, vector<16xi32>], vector<16xf32>,
      %add3A_458 = arith.constant 16 : i32
      %add3A_459 = vector.broadcast %add3A_458 : i32 to vector<16xi32>
      %add3A_460 = arith.addi %iota3A, %add3A_459 : vector<16xi32>
      %gather3A_461 = tpu.vector_load_idx %arg14[%add3A_460, %broadcast_in_dim3A_452] : memref<32x128xf32, #tpu.memory_space<vmem>>[vector<16xi32>, vector<16xi32>], vector<16xf32>,
      %gather3A_462 = tpu.vector_load_idx %arg22[%iota3A, %broadcast_in_dim3A_455] : memref<32x128xf32, #tpu.memory_space<vmem>>[vector<16xi32>, vector<16xi32>], vector<16xf32>,
      %add3A_463 = arith.constant 16 : i32
      %add3A_464 = vector.broadcast %add3A_463 : i32 to vector<16xi32>
      %add3A_465 = arith.addi %iota3A, %add3A_464 : vector<16xi32>
      %gather3A_466 = tpu.vector_load_idx %arg22[%add3A_465, %broadcast_in_dim3A_455] : memref<32x128xf32, #tpu.memory_space<vmem>>[vector<16xi32>, vector<16xi32>], vector<16xf32>,
      tpu.vector_store_idx %arg9[%iota3A, %broadcast_in_dim3A_456], %gather3A_457 : memref<32x512xf32, #tpu.memory_space<vmem>>[vector<16xi32>, vector<16xi32>], vector<16xf32>,
      %add3A_467 = arith.constant 16 : i32
      %add3A_468 = vector.broadcast %add3A_467 : i32 to vector<16xi32>
      %add3A_469 = arith.addi %iota3A, %add3A_468 : vector<16xi32>
      tpu.vector_store_idx %arg9[%add3A_469, %broadcast_in_dim3A_456], %gather3A_461 : memref<32x512xf32, #tpu.memory_space<vmem>>[vector<16xi32>, vector<16xi32>], vector<16xf32>,
      tpu.vector_store_idx %arg10[%iota3A, %broadcast_in_dim3A_456], %gather3A_462 : memref<32x512xf32, #tpu.memory_space<vmem>>[vector<16xi32>, vector<16xi32>], vector<16xf32>,
      %add3A_470 = arith.constant 16 : i32
      %add3A_471 = vector.broadcast %add3A_470 : i32 to vector<16xi32>
      %add3A_472 = arith.addi %iota3A, %add3A_471 : vector<16xi32>
      tpu.vector_store_idx %arg10[%add3A_472, %broadcast_in_dim3A_456], %gather3A_466 : memref<32x512xf32, #tpu.memory_space<vmem>>[vector<16xi32>, vector<16xi32>], vector<16xf32>,
      %add3A_473 = arith.constant 8 : i32
      %add3A_474 = arith.addi %add3A_428, %add3A_473 : i32
      %min3A_475 = arith.constant 511 : i32
      %min3A_476 = arith.minsi %add3A_474, %min3A_475 : i32
      %mul3A_477 = arith.constant 2 : i32
      %mul3A_478 = arith.muli %mul3A_477, %min3A_476 : i32
      %add3A_479 = vector.broadcast %mul3A_478 : i32 to vector<16xi32>
      %add3A_480 = arith.addi %add3A_479, %and3A_2 : vector<16xi32>
      %gather3A_481 = tpu.vector_load_idx %arg7[%add3A_480] : memref<1024xi32, #tpu.memory_space<vmem>>[vector<16xi32>], vector<16xi32>,
      %slice3A_482 = vector.extract_strided_slice %gather3A_481 {offsets = [0], sizes = [1], strides = [1]} : vector<16xi32> to vector<1xi32>
      %squeeze3A_483 = vector.extract %slice3A_482[0] : i32 from vector<1xi32>
      %slice3A_484 = vector.extract_strided_slice %gather3A_481 {offsets = [1], sizes = [1], strides = [1]} : vector<16xi32> to vector<1xi32>
      %squeeze3A_485 = vector.extract %slice3A_484[0] : i32 from vector<1xi32>
      %and3A_486 = arith.constant -128 : i32
      %and3A_487 = arith.andi %squeeze3A_483, %and3A_486 : i32
      %multiple_of3A_488 = tpu.assume_multiple %and3A_487, 128 : i32
      %and3A_489 = arith.constant -128 : i32
      %and3A_490 = arith.andi %squeeze3A_485, %and3A_489 : i32
      %multiple_of3A_491 = tpu.assume_multiple %and3A_490, 128 : i32
      %dma_start3A_492 = arith.constant 0 : i32
      %dma_start3A_493 = tpu.memref_slice %arg4[%dma_start3A_492, %multiple_of3A_488] : memref<32x1000000xf32, #tpu.memory_space<hbm>> -> memref<32x128xf32, #tpu.memory_space<hbm>>
      %dma_start3A_494 = arith.constant 0 : i32
      %dma_start3A_495 = tpu.memref_slice %arg4[%dma_start3A_494, %multiple_of3A_488] : memref<32x1000000xf32, #tpu.memory_space<hbm>> -> memref<32x128xf32, #tpu.memory_space<hbm>>
      tpu.enqueue_dma source(%dma_start3A_495 : memref<32x128xf32, #tpu.memory_space<hbm>>) target(%arg14 : memref<32x128xf32, #tpu.memory_space<vmem>>) target_semaphore(%arg28 : memref<!tpu.dma_semaphore, #tpu.memory_space<semaphore_mem>>)
      %dma_start3A_496 = arith.constant 0 : i32
      %dma_start3A_497 = tpu.memref_slice %arg5[%dma_start3A_496, %multiple_of3A_491] : memref<32x1000000xf32, #tpu.memory_space<hbm>> -> memref<32x128xf32, #tpu.memory_space<hbm>>
      %dma_start3A_498 = arith.constant 0 : i32
      %dma_start3A_499 = tpu.memref_slice %arg5[%dma_start3A_498, %multiple_of3A_491] : memref<32x1000000xf32, #tpu.memory_space<hbm>> -> memref<32x128xf32, #tpu.memory_space<hbm>>
      tpu.enqueue_dma source(%dma_start3A_499 : memref<32x128xf32, #tpu.memory_space<hbm>>) target(%arg22 : memref<32x128xf32, #tpu.memory_space<vmem>>) target_semaphore(%arg29 : memref<!tpu.dma_semaphore, #tpu.memory_space<semaphore_mem>>)
      %add3A_500 = arith.constant 3 : i32
      %add3A_501 = arith.addi %add3A_282, %add3A_500 : i32
      %dma_wait3A_502 = arith.constant 0 : i32
      %dma_wait3A_503 = arith.constant 0 : i32
      %dma_wait3A_504 = tpu.memref_slice %arg4[%dma_wait3A_502, %dma_wait3A_503] : memref<32x1000000xf32, #tpu.memory_space<hbm>> -> memref<32x128xf32, #tpu.memory_space<hbm>>
      %dma_wait3A_505 = arith.constant 0 : i32
      %dma_wait3A_506 = arith.constant 0 : i32
      %dma_wait3A_507 = tpu.memref_slice %arg4[%dma_wait3A_505, %dma_wait3A_506] : memref<32x1000000xf32, #tpu.memory_space<hbm>> -> memref<32x128xf32, #tpu.memory_space<hbm>>
      tpu.wait_dma2 semaphore(%arg28 : memref<!tpu.dma_semaphore, #tpu.memory_space<semaphore_mem>>) src(%dma_wait3A_507 : memref<32x128xf32, #tpu.memory_space<hbm>>) dst(%arg15 : memref<32x128xf32, #tpu.memory_space<vmem>>)
      %dma_wait3A_508 = arith.constant 0 : i32
      %dma_wait3A_509 = arith.constant 0 : i32
      %dma_wait3A_510 = tpu.memref_slice %arg5[%dma_wait3A_508, %dma_wait3A_509] : memref<32x1000000xf32, #tpu.memory_space<hbm>> -> memref<32x128xf32, #tpu.memory_space<hbm>>
      %dma_wait3A_511 = arith.constant 0 : i32
      %dma_wait3A_512 = arith.constant 0 : i32
      %dma_wait3A_513 = tpu.memref_slice %arg5[%dma_wait3A_511, %dma_wait3A_512] : memref<32x1000000xf32, #tpu.memory_space<hbm>> -> memref<32x128xf32, #tpu.memory_space<hbm>>
      tpu.wait_dma2 semaphore(%arg29 : memref<!tpu.dma_semaphore, #tpu.memory_space<semaphore_mem>>) src(%dma_wait3A_513 : memref<32x128xf32, #tpu.memory_space<hbm>>) dst(%arg23 : memref<32x128xf32, #tpu.memory_space<vmem>>)
      %mul3A_514 = arith.constant 2 : i32
      %mul3A_515 = arith.muli %mul3A_514, %add3A_501 : i32
      %add3A_516 = vector.broadcast %mul3A_515 : i32 to vector<16xi32>
      %add3A_517 = arith.addi %add3A_516, %and3A_2 : vector<16xi32>
      %gather3A_518 = tpu.vector_load_idx %arg7[%add3A_517] : memref<1024xi32, #tpu.memory_space<vmem>>[vector<16xi32>], vector<16xi32>,
      %slice3A_519 = vector.extract_strided_slice %gather3A_518 {offsets = [0], sizes = [1], strides = [1]} : vector<16xi32> to vector<1xi32>
      %squeeze3A_520 = vector.extract %slice3A_519[0] : i32 from vector<1xi32>
      %slice3A_521 = vector.extract_strided_slice %gather3A_518 {offsets = [1], sizes = [1], strides = [1]} : vector<16xi32> to vector<1xi32>
      %squeeze3A_522 = vector.extract %slice3A_521[0] : i32 from vector<1xi32>
      %and3A_523 = arith.constant 127 : i32
      %and3A_524 = arith.andi %squeeze3A_520, %and3A_523 : i32
      %broadcast_in_dim3A_525 = vector.broadcast %and3A_524 : i32 to vector<16xi32>
      %and3A_526 = arith.constant 127 : i32
      %and3A_527 = arith.andi %squeeze3A_522, %and3A_526 : i32
      %broadcast_in_dim3A_528 = vector.broadcast %and3A_527 : i32 to vector<16xi32>
      %broadcast_in_dim3A_529 = vector.broadcast %add3A_501 : i32 to vector<16xi32>
      %gather3A_530 = tpu.vector_load_idx %arg15[%iota3A, %broadcast_in_dim3A_525] : memref<32x128xf32, #tpu.memory_space<vmem>>[vector<16xi32>, vector<16xi32>], vector<16xf32>,
      %add3A_531 = arith.constant 16 : i32
      %add3A_532 = vector.broadcast %add3A_531 : i32 to vector<16xi32>
      %add3A_533 = arith.addi %iota3A, %add3A_532 : vector<16xi32>
      %gather3A_534 = tpu.vector_load_idx %arg15[%add3A_533, %broadcast_in_dim3A_525] : memref<32x128xf32, #tpu.memory_space<vmem>>[vector<16xi32>, vector<16xi32>], vector<16xf32>,
      %gather3A_535 = tpu.vector_load_idx %arg23[%iota3A, %broadcast_in_dim3A_528] : memref<32x128xf32, #tpu.memory_space<vmem>>[vector<16xi32>, vector<16xi32>], vector<16xf32>,
      %add3A_536 = arith.constant 16 : i32
      %add3A_537 = vector.broadcast %add3A_536 : i32 to vector<16xi32>
      %add3A_538 = arith.addi %iota3A, %add3A_537 : vector<16xi32>
      %gather3A_539 = tpu.vector_load_idx %arg23[%add3A_538, %broadcast_in_dim3A_528] : memref<32x128xf32, #tpu.memory_space<vmem>>[vector<16xi32>, vector<16xi32>], vector<16xf32>,
      tpu.vector_store_idx %arg9[%iota3A, %broadcast_in_dim3A_529], %gather3A_530 : memref<32x512xf32, #tpu.memory_space<vmem>>[vector<16xi32>, vector<16xi32>], vector<16xf32>,
      %add3A_540 = arith.constant 16 : i32
      %add3A_541 = vector.broadcast %add3A_540 : i32 to vector<16xi32>
      %add3A_542 = arith.addi %iota3A, %add3A_541 : vector<16xi32>
      tpu.vector_store_idx %arg9[%add3A_542, %broadcast_in_dim3A_529], %gather3A_534 : memref<32x512xf32, #tpu.memory_space<vmem>>[vector<16xi32>, vector<16xi32>], vector<16xf32>,
      tpu.vector_store_idx %arg10[%iota3A, %broadcast_in_dim3A_529], %gather3A_535 : memref<32x512xf32, #tpu.memory_space<vmem>>[vector<16xi32>, vector<16xi32>], vector<16xf32>,
      %add3A_543 = arith.constant 16 : i32
      %add3A_544 = vector.broadcast %add3A_543 : i32 to vector<16xi32>
      %add3A_545 = arith.addi %iota3A, %add3A_544 : vector<16xi32>
      tpu.vector_store_idx %arg10[%add3A_545, %broadcast_in_dim3A_529], %gather3A_539 : memref<32x512xf32, #tpu.memory_space<vmem>>[vector<16xi32>, vector<16xi32>], vector<16xf32>,
      %add3A_546 = arith.constant 8 : i32
      %add3A_547 = arith.addi %add3A_501, %add3A_546 : i32
      %min3A_548 = arith.constant 511 : i32
      %min3A_549 = arith.minsi %add3A_547, %min3A_548 : i32
      %mul3A_550 = arith.constant 2 : i32
      %mul3A_551 = arith.muli %mul3A_550, %min3A_549 : i32
      %add3A_552 = vector.broadcast %mul3A_551 : i32 to vector<16xi32>
      %add3A_553 = arith.addi %add3A_552, %and3A_2 : vector<16xi32>
      %gather3A_554 = tpu.vector_load_idx %arg7[%add3A_553] : memref<1024xi32, #tpu.memory_space<vmem>>[vector<16xi32>], vector<16xi32>,
      %slice3A_555 = vector.extract_strided_slice %gather3A_554 {offsets = [0], sizes = [1], strides = [1]} : vector<16xi32> to vector<1xi32>
      %squeeze3A_556 = vector.extract %slice3A_555[0] : i32 from vector<1xi32>
      %slice3A_557 = vector.extract_strided_slice %gather3A_554 {offsets = [1], sizes = [1], strides = [1]} : vector<16xi32> to vector<1xi32>
      %squeeze3A_558 = vector.extract %slice3A_557[0] : i32 from vector<1xi32>
      %and3A_559 = arith.constant -128 : i32
      %and3A_560 = arith.andi %squeeze3A_556, %and3A_559 : i32
      %multiple_of3A_561 = tpu.assume_multiple %and3A_560, 128 : i32
      %and3A_562 = arith.constant -128 : i32
      %and3A_563 = arith.andi %squeeze3A_558, %and3A_562 : i32
      %multiple_of3A_564 = tpu.assume_multiple %and3A_563, 128 : i32
      %dma_start3A_565 = arith.constant 0 : i32
      %dma_start3A_566 = tpu.memref_slice %arg4[%dma_start3A_565, %multiple_of3A_561] : memref<32x1000000xf32, #tpu.memory_space<hbm>> -> memref<32x128xf32, #tpu.memory_space<hbm>>
      %dma_start3A_567 = arith.constant 0 : i32
      %dma_start3A_568 = tpu.memref_slice %arg4[%dma_start3A_567, %multiple_of3A_561] : memref<32x1000000xf32, #tpu.memory_space<hbm>> -> memref<32x128xf32, #tpu.memory_space<hbm>>
      tpu.enqueue_dma source(%dma_start3A_568 : memref<32x128xf32, #tpu.memory_space<hbm>>) target(%arg15 : memref<32x128xf32, #tpu.memory_space<vmem>>) target_semaphore(%arg28 : memref<!tpu.dma_semaphore, #tpu.memory_space<semaphore_mem>>)
      %dma_start3A_569 = arith.constant 0 : i32
      %dma_start3A_570 = tpu.memref_slice %arg5[%dma_start3A_569, %multiple_of3A_564] : memref<32x1000000xf32, #tpu.memory_space<hbm>> -> memref<32x128xf32, #tpu.memory_space<hbm>>
      %dma_start3A_571 = arith.constant 0 : i32
      %dma_start3A_572 = tpu.memref_slice %arg5[%dma_start3A_571, %multiple_of3A_564] : memref<32x1000000xf32, #tpu.memory_space<hbm>> -> memref<32x128xf32, #tpu.memory_space<hbm>>
      tpu.enqueue_dma source(%dma_start3A_572 : memref<32x128xf32, #tpu.memory_space<hbm>>) target(%arg23 : memref<32x128xf32, #tpu.memory_space<vmem>>) target_semaphore(%arg29 : memref<!tpu.dma_semaphore, #tpu.memory_space<semaphore_mem>>)
      %add3A_573 = arith.constant 4 : i32
      %add3A_574 = arith.addi %add3A_282, %add3A_573 : i32
      %dma_wait3A_575 = arith.constant 0 : i32
      %dma_wait3A_576 = arith.constant 0 : i32
      %dma_wait3A_577 = tpu.memref_slice %arg4[%dma_wait3A_575, %dma_wait3A_576] : memref<32x1000000xf32, #tpu.memory_space<hbm>> -> memref<32x128xf32, #tpu.memory_space<hbm>>
      %dma_wait3A_578 = arith.constant 0 : i32
      %dma_wait3A_579 = arith.constant 0 : i32
      %dma_wait3A_580 = tpu.memref_slice %arg4[%dma_wait3A_578, %dma_wait3A_579] : memref<32x1000000xf32, #tpu.memory_space<hbm>> -> memref<32x128xf32, #tpu.memory_space<hbm>>
      tpu.wait_dma2 semaphore(%arg28 : memref<!tpu.dma_semaphore, #tpu.memory_space<semaphore_mem>>) src(%dma_wait3A_580 : memref<32x128xf32, #tpu.memory_space<hbm>>) dst(%arg16 : memref<32x128xf32, #tpu.memory_space<vmem>>)
      %dma_wait3A_581 = arith.constant 0 : i32
      %dma_wait3A_582 = arith.constant 0 : i32
      %dma_wait3A_583 = tpu.memref_slice %arg5[%dma_wait3A_581, %dma_wait3A_582] : memref<32x1000000xf32, #tpu.memory_space<hbm>> -> memref<32x128xf32, #tpu.memory_space<hbm>>
      %dma_wait3A_584 = arith.constant 0 : i32
      %dma_wait3A_585 = arith.constant 0 : i32
      %dma_wait3A_586 = tpu.memref_slice %arg5[%dma_wait3A_584, %dma_wait3A_585] : memref<32x1000000xf32, #tpu.memory_space<hbm>> -> memref<32x128xf32, #tpu.memory_space<hbm>>
      tpu.wait_dma2 semaphore(%arg29 : memref<!tpu.dma_semaphore, #tpu.memory_space<semaphore_mem>>) src(%dma_wait3A_586 : memref<32x128xf32, #tpu.memory_space<hbm>>) dst(%arg24 : memref<32x128xf32, #tpu.memory_space<vmem>>)
      %mul3A_587 = arith.constant 2 : i32
      %mul3A_588 = arith.muli %mul3A_587, %add3A_574 : i32
      %add3A_589 = vector.broadcast %mul3A_588 : i32 to vector<16xi32>
      %add3A_590 = arith.addi %add3A_589, %and3A_2 : vector<16xi32>
      %gather3A_591 = tpu.vector_load_idx %arg7[%add3A_590] : memref<1024xi32, #tpu.memory_space<vmem>>[vector<16xi32>], vector<16xi32>,
      %slice3A_592 = vector.extract_strided_slice %gather3A_591 {offsets = [0], sizes = [1], strides = [1]} : vector<16xi32> to vector<1xi32>
      %squeeze3A_593 = vector.extract %slice3A_592[0] : i32 from vector<1xi32>
      %slice3A_594 = vector.extract_strided_slice %gather3A_591 {offsets = [1], sizes = [1], strides = [1]} : vector<16xi32> to vector<1xi32>
      %squeeze3A_595 = vector.extract %slice3A_594[0] : i32 from vector<1xi32>
      %and3A_596 = arith.constant 127 : i32
      %and3A_597 = arith.andi %squeeze3A_593, %and3A_596 : i32
      %broadcast_in_dim3A_598 = vector.broadcast %and3A_597 : i32 to vector<16xi32>
      %and3A_599 = arith.constant 127 : i32
      %and3A_600 = arith.andi %squeeze3A_595, %and3A_599 : i32
      %broadcast_in_dim3A_601 = vector.broadcast %and3A_600 : i32 to vector<16xi32>
      %broadcast_in_dim3A_602 = vector.broadcast %add3A_574 : i32 to vector<16xi32>
      %gather3A_603 = tpu.vector_load_idx %arg16[%iota3A, %broadcast_in_dim3A_598] : memref<32x128xf32, #tpu.memory_space<vmem>>[vector<16xi32>, vector<16xi32>], vector<16xf32>,
      %add3A_604 = arith.constant 16 : i32
      %add3A_605 = vector.broadcast %add3A_604 : i32 to vector<16xi32>
      %add3A_606 = arith.addi %iota3A, %add3A_605 : vector<16xi32>
      %gather3A_607 = tpu.vector_load_idx %arg16[%add3A_606, %broadcast_in_dim3A_598] : memref<32x128xf32, #tpu.memory_space<vmem>>[vector<16xi32>, vector<16xi32>], vector<16xf32>,
      %gather3A_608 = tpu.vector_load_idx %arg24[%iota3A, %broadcast_in_dim3A_601] : memref<32x128xf32, #tpu.memory_space<vmem>>[vector<16xi32>, vector<16xi32>], vector<16xf32>,
      %add3A_609 = arith.constant 16 : i32
      %add3A_610 = vector.broadcast %add3A_609 : i32 to vector<16xi32>
      %add3A_611 = arith.addi %iota3A, %add3A_610 : vector<16xi32>
      %gather3A_612 = tpu.vector_load_idx %arg24[%add3A_611, %broadcast_in_dim3A_601] : memref<32x128xf32, #tpu.memory_space<vmem>>[vector<16xi32>, vector<16xi32>], vector<16xf32>,
      tpu.vector_store_idx %arg9[%iota3A, %broadcast_in_dim3A_602], %gather3A_603 : memref<32x512xf32, #tpu.memory_space<vmem>>[vector<16xi32>, vector<16xi32>], vector<16xf32>,
      %add3A_613 = arith.constant 16 : i32
      %add3A_614 = vector.broadcast %add3A_613 : i32 to vector<16xi32>
      %add3A_615 = arith.addi %iota3A, %add3A_614 : vector<16xi32>
      tpu.vector_store_idx %arg9[%add3A_615, %broadcast_in_dim3A_602], %gather3A_607 : memref<32x512xf32, #tpu.memory_space<vmem>>[vector<16xi32>, vector<16xi32>], vector<16xf32>,
      tpu.vector_store_idx %arg10[%iota3A, %broadcast_in_dim3A_602], %gather3A_608 : memref<32x512xf32, #tpu.memory_space<vmem>>[vector<16xi32>, vector<16xi32>], vector<16xf32>,
      %add3A_616 = arith.constant 16 : i32
      %add3A_617 = vector.broadcast %add3A_616 : i32 to vector<16xi32>
      %add3A_618 = arith.addi %iota3A, %add3A_617 : vector<16xi32>
      tpu.vector_store_idx %arg10[%add3A_618, %broadcast_in_dim3A_602], %gather3A_612 : memref<32x512xf32, #tpu.memory_space<vmem>>[vector<16xi32>, vector<16xi32>], vector<16xf32>,
      %add3A_619 = arith.constant 8 : i32
      %add3A_620 = arith.addi %add3A_574, %add3A_619 : i32
      %min3A_621 = arith.constant 511 : i32
      %min3A_622 = arith.minsi %add3A_620, %min3A_621 : i32
      %mul3A_623 = arith.constant 2 : i32
      %mul3A_624 = arith.muli %mul3A_623, %min3A_622 : i32
      %add3A_625 = vector.broadcast %mul3A_624 : i32 to vector<16xi32>
      %add3A_626 = arith.addi %add3A_625, %and3A_2 : vector<16xi32>
      %gather3A_627 = tpu.vector_load_idx %arg7[%add3A_626] : memref<1024xi32, #tpu.memory_space<vmem>>[vector<16xi32>], vector<16xi32>,
      %slice3A_628 = vector.extract_strided_slice %gather3A_627 {offsets = [0], sizes = [1], strides = [1]} : vector<16xi32> to vector<1xi32>
      %squeeze3A_629 = vector.extract %slice3A_628[0] : i32 from vector<1xi32>
      %slice3A_630 = vector.extract_strided_slice %gather3A_627 {offsets = [1], sizes = [1], strides = [1]} : vector<16xi32> to vector<1xi32>
      %squeeze3A_631 = vector.extract %slice3A_630[0] : i32 from vector<1xi32>
      %and3A_632 = arith.constant -128 : i32
      %and3A_633 = arith.andi %squeeze3A_629, %and3A_632 : i32
      %multiple_of3A_634 = tpu.assume_multiple %and3A_633, 128 : i32
      %and3A_635 = arith.constant -128 : i32
      %and3A_636 = arith.andi %squeeze3A_631, %and3A_635 : i32
      %multiple_of3A_637 = tpu.assume_multiple %and3A_636, 128 : i32
      %dma_start3A_638 = arith.constant 0 : i32
      %dma_start3A_639 = tpu.memref_slice %arg4[%dma_start3A_638, %multiple_of3A_634] : memref<32x1000000xf32, #tpu.memory_space<hbm>> -> memref<32x128xf32, #tpu.memory_space<hbm>>
      %dma_start3A_640 = arith.constant 0 : i32
      %dma_start3A_641 = tpu.memref_slice %arg4[%dma_start3A_640, %multiple_of3A_634] : memref<32x1000000xf32, #tpu.memory_space<hbm>> -> memref<32x128xf32, #tpu.memory_space<hbm>>
      tpu.enqueue_dma source(%dma_start3A_641 : memref<32x128xf32, #tpu.memory_space<hbm>>) target(%arg16 : memref<32x128xf32, #tpu.memory_space<vmem>>) target_semaphore(%arg28 : memref<!tpu.dma_semaphore, #tpu.memory_space<semaphore_mem>>)
      %dma_start3A_642 = arith.constant 0 : i32
      %dma_start3A_643 = tpu.memref_slice %arg5[%dma_start3A_642, %multiple_of3A_637] : memref<32x1000000xf32, #tpu.memory_space<hbm>> -> memref<32x128xf32, #tpu.memory_space<hbm>>
      %dma_start3A_644 = arith.constant 0 : i32
      %dma_start3A_645 = tpu.memref_slice %arg5[%dma_start3A_644, %multiple_of3A_637] : memref<32x1000000xf32, #tpu.memory_space<hbm>> -> memref<32x128xf32, #tpu.memory_space<hbm>>
      tpu.enqueue_dma source(%dma_start3A_645 : memref<32x128xf32, #tpu.memory_space<hbm>>) target(%arg24 : memref<32x128xf32, #tpu.memory_space<vmem>>) target_semaphore(%arg29 : memref<!tpu.dma_semaphore, #tpu.memory_space<semaphore_mem>>)
      %add3A_646 = arith.constant 5 : i32
      %add3A_647 = arith.addi %add3A_282, %add3A_646 : i32
      %dma_wait3A_648 = arith.constant 0 : i32
      %dma_wait3A_649 = arith.constant 0 : i32
      %dma_wait3A_650 = tpu.memref_slice %arg4[%dma_wait3A_648, %dma_wait3A_649] : memref<32x1000000xf32, #tpu.memory_space<hbm>> -> memref<32x128xf32, #tpu.memory_space<hbm>>
      %dma_wait3A_651 = arith.constant 0 : i32
      %dma_wait3A_652 = arith.constant 0 : i32
      %dma_wait3A_653 = tpu.memref_slice %arg4[%dma_wait3A_651, %dma_wait3A_652] : memref<32x1000000xf32, #tpu.memory_space<hbm>> -> memref<32x128xf32, #tpu.memory_space<hbm>>
      tpu.wait_dma2 semaphore(%arg28 : memref<!tpu.dma_semaphore, #tpu.memory_space<semaphore_mem>>) src(%dma_wait3A_653 : memref<32x128xf32, #tpu.memory_space<hbm>>) dst(%arg17 : memref<32x128xf32, #tpu.memory_space<vmem>>)
      %dma_wait3A_654 = arith.constant 0 : i32
      %dma_wait3A_655 = arith.constant 0 : i32
      %dma_wait3A_656 = tpu.memref_slice %arg5[%dma_wait3A_654, %dma_wait3A_655] : memref<32x1000000xf32, #tpu.memory_space<hbm>> -> memref<32x128xf32, #tpu.memory_space<hbm>>
      %dma_wait3A_657 = arith.constant 0 : i32
      %dma_wait3A_658 = arith.constant 0 : i32
      %dma_wait3A_659 = tpu.memref_slice %arg5[%dma_wait3A_657, %dma_wait3A_658] : memref<32x1000000xf32, #tpu.memory_space<hbm>> -> memref<32x128xf32, #tpu.memory_space<hbm>>
      tpu.wait_dma2 semaphore(%arg29 : memref<!tpu.dma_semaphore, #tpu.memory_space<semaphore_mem>>) src(%dma_wait3A_659 : memref<32x128xf32, #tpu.memory_space<hbm>>) dst(%arg25 : memref<32x128xf32, #tpu.memory_space<vmem>>)
      %mul3A_660 = arith.constant 2 : i32
      %mul3A_661 = arith.muli %mul3A_660, %add3A_647 : i32
      %add3A_662 = vector.broadcast %mul3A_661 : i32 to vector<16xi32>
      %add3A_663 = arith.addi %add3A_662, %and3A_2 : vector<16xi32>
      %gather3A_664 = tpu.vector_load_idx %arg7[%add3A_663] : memref<1024xi32, #tpu.memory_space<vmem>>[vector<16xi32>], vector<16xi32>,
      %slice3A_665 = vector.extract_strided_slice %gather3A_664 {offsets = [0], sizes = [1], strides = [1]} : vector<16xi32> to vector<1xi32>
      %squeeze3A_666 = vector.extract %slice3A_665[0] : i32 from vector<1xi32>
      %slice3A_667 = vector.extract_strided_slice %gather3A_664 {offsets = [1], sizes = [1], strides = [1]} : vector<16xi32> to vector<1xi32>
      %squeeze3A_668 = vector.extract %slice3A_667[0] : i32 from vector<1xi32>
      %and3A_669 = arith.constant 127 : i32
      %and3A_670 = arith.andi %squeeze3A_666, %and3A_669 : i32
      %broadcast_in_dim3A_671 = vector.broadcast %and3A_670 : i32 to vector<16xi32>
      %and3A_672 = arith.constant 127 : i32
      %and3A_673 = arith.andi %squeeze3A_668, %and3A_672 : i32
      %broadcast_in_dim3A_674 = vector.broadcast %and3A_673 : i32 to vector<16xi32>
      %broadcast_in_dim3A_675 = vector.broadcast %add3A_647 : i32 to vector<16xi32>
      %gather3A_676 = tpu.vector_load_idx %arg17[%iota3A, %broadcast_in_dim3A_671] : memref<32x128xf32, #tpu.memory_space<vmem>>[vector<16xi32>, vector<16xi32>], vector<16xf32>,
      %add3A_677 = arith.constant 16 : i32
      %add3A_678 = vector.broadcast %add3A_677 : i32 to vector<16xi32>
      %add3A_679 = arith.addi %iota3A, %add3A_678 : vector<16xi32>
      %gather3A_680 = tpu.vector_load_idx %arg17[%add3A_679, %broadcast_in_dim3A_671] : memref<32x128xf32, #tpu.memory_space<vmem>>[vector<16xi32>, vector<16xi32>], vector<16xf32>,
      %gather3A_681 = tpu.vector_load_idx %arg25[%iota3A, %broadcast_in_dim3A_674] : memref<32x128xf32, #tpu.memory_space<vmem>>[vector<16xi32>, vector<16xi32>], vector<16xf32>,
      %add3A_682 = arith.constant 16 : i32
      %add3A_683 = vector.broadcast %add3A_682 : i32 to vector<16xi32>
      %add3A_684 = arith.addi %iota3A, %add3A_683 : vector<16xi32>
      %gather3A_685 = tpu.vector_load_idx %arg25[%add3A_684, %broadcast_in_dim3A_674] : memref<32x128xf32, #tpu.memory_space<vmem>>[vector<16xi32>, vector<16xi32>], vector<16xf32>,
      tpu.vector_store_idx %arg9[%iota3A, %broadcast_in_dim3A_675], %gather3A_676 : memref<32x512xf32, #tpu.memory_space<vmem>>[vector<16xi32>, vector<16xi32>], vector<16xf32>,
      %add3A_686 = arith.constant 16 : i32
      %add3A_687 = vector.broadcast %add3A_686 : i32 to vector<16xi32>
      %add3A_688 = arith.addi %iota3A, %add3A_687 : vector<16xi32>
      tpu.vector_store_idx %arg9[%add3A_688, %broadcast_in_dim3A_675], %gather3A_680 : memref<32x512xf32, #tpu.memory_space<vmem>>[vector<16xi32>, vector<16xi32>], vector<16xf32>,
      tpu.vector_store_idx %arg10[%iota3A, %broadcast_in_dim3A_675], %gather3A_681 : memref<32x512xf32, #tpu.memory_space<vmem>>[vector<16xi32>, vector<16xi32>], vector<16xf32>,
      %add3A_689 = arith.constant 16 : i32
      %add3A_690 = vector.broadcast %add3A_689 : i32 to vector<16xi32>
      %add3A_691 = arith.addi %iota3A, %add3A_690 : vector<16xi32>
      tpu.vector_store_idx %arg10[%add3A_691, %broadcast_in_dim3A_675], %gather3A_685 : memref<32x512xf32, #tpu.memory_space<vmem>>[vector<16xi32>, vector<16xi32>], vector<16xf32>,
      %add3A_692 = arith.constant 8 : i32
      %add3A_693 = arith.addi %add3A_647, %add3A_692 : i32
      %min3A_694 = arith.constant 511 : i32
      %min3A_695 = arith.minsi %add3A_693, %min3A_694 : i32
      %mul3A_696 = arith.constant 2 : i32
      %mul3A_697 = arith.muli %mul3A_696, %min3A_695 : i32
      %add3A_698 = vector.broadcast %mul3A_697 : i32 to vector<16xi32>
      %add3A_699 = arith.addi %add3A_698, %and3A_2 : vector<16xi32>
      %gather3A_700 = tpu.vector_load_idx %arg7[%add3A_699] : memref<1024xi32, #tpu.memory_space<vmem>>[vector<16xi32>], vector<16xi32>,
      %slice3A_701 = vector.extract_strided_slice %gather3A_700 {offsets = [0], sizes = [1], strides = [1]} : vector<16xi32> to vector<1xi32>
      %squeeze3A_702 = vector.extract %slice3A_701[0] : i32 from vector<1xi32>
      %slice3A_703 = vector.extract_strided_slice %gather3A_700 {offsets = [1], sizes = [1], strides = [1]} : vector<16xi32> to vector<1xi32>
      %squeeze3A_704 = vector.extract %slice3A_703[0] : i32 from vector<1xi32>
      %and3A_705 = arith.constant -128 : i32
      %and3A_706 = arith.andi %squeeze3A_702, %and3A_705 : i32
      %multiple_of3A_707 = tpu.assume_multiple %and3A_706, 128 : i32
      %and3A_708 = arith.constant -128 : i32
      %and3A_709 = arith.andi %squeeze3A_704, %and3A_708 : i32
      %multiple_of3A_710 = tpu.assume_multiple %and3A_709, 128 : i32
      %dma_start3A_711 = arith.constant 0 : i32
      %dma_start3A_712 = tpu.memref_slice %arg4[%dma_start3A_711, %multiple_of3A_707] : memref<32x1000000xf32, #tpu.memory_space<hbm>> -> memref<32x128xf32, #tpu.memory_space<hbm>>
      %dma_start3A_713 = arith.constant 0 : i32
      %dma_start3A_714 = tpu.memref_slice %arg4[%dma_start3A_713, %multiple_of3A_707] : memref<32x1000000xf32, #tpu.memory_space<hbm>> -> memref<32x128xf32, #tpu.memory_space<hbm>>
      tpu.enqueue_dma source(%dma_start3A_714 : memref<32x128xf32, #tpu.memory_space<hbm>>) target(%arg17 : memref<32x128xf32, #tpu.memory_space<vmem>>) target_semaphore(%arg28 : memref<!tpu.dma_semaphore, #tpu.memory_space<semaphore_mem>>)
      %dma_start3A_715 = arith.constant 0 : i32
      %dma_start3A_716 = tpu.memref_slice %arg5[%dma_start3A_715, %multiple_of3A_710] : memref<32x1000000xf32, #tpu.memory_space<hbm>> -> memref<32x128xf32, #tpu.memory_space<hbm>>
      %dma_start3A_717 = arith.constant 0 : i32
      %dma_start3A_718 = tpu.memref_slice %arg5[%dma_start3A_717, %multiple_of3A_710] : memref<32x1000000xf32, #tpu.memory_space<hbm>> -> memref<32x128xf32, #tpu.memory_space<hbm>>
      tpu.enqueue_dma source(%dma_start3A_718 : memref<32x128xf32, #tpu.memory_space<hbm>>) target(%arg25 : memref<32x128xf32, #tpu.memory_space<vmem>>) target_semaphore(%arg29 : memref<!tpu.dma_semaphore, #tpu.memory_space<semaphore_mem>>)
      %add3A_719 = arith.constant 6 : i32
      %add3A_720 = arith.addi %add3A_282, %add3A_719 : i32
      %dma_wait3A_721 = arith.constant 0 : i32
      %dma_wait3A_722 = arith.constant 0 : i32
      %dma_wait3A_723 = tpu.memref_slice %arg4[%dma_wait3A_721, %dma_wait3A_722] : memref<32x1000000xf32, #tpu.memory_space<hbm>> -> memref<32x128xf32, #tpu.memory_space<hbm>>
      %dma_wait3A_724 = arith.constant 0 : i32
      %dma_wait3A_725 = arith.constant 0 : i32
      %dma_wait3A_726 = tpu.memref_slice %arg4[%dma_wait3A_724, %dma_wait3A_725] : memref<32x1000000xf32, #tpu.memory_space<hbm>> -> memref<32x128xf32, #tpu.memory_space<hbm>>
      tpu.wait_dma2 semaphore(%arg28 : memref<!tpu.dma_semaphore, #tpu.memory_space<semaphore_mem>>) src(%dma_wait3A_726 : memref<32x128xf32, #tpu.memory_space<hbm>>) dst(%arg18 : memref<32x128xf32, #tpu.memory_space<vmem>>)
      %dma_wait3A_727 = arith.constant 0 : i32
      %dma_wait3A_728 = arith.constant 0 : i32
      %dma_wait3A_729 = tpu.memref_slice %arg5[%dma_wait3A_727, %dma_wait3A_728] : memref<32x1000000xf32, #tpu.memory_space<hbm>> -> memref<32x128xf32, #tpu.memory_space<hbm>>
      %dma_wait3A_730 = arith.constant 0 : i32
      %dma_wait3A_731 = arith.constant 0 : i32
      %dma_wait3A_732 = tpu.memref_slice %arg5[%dma_wait3A_730, %dma_wait3A_731] : memref<32x1000000xf32, #tpu.memory_space<hbm>> -> memref<32x128xf32, #tpu.memory_space<hbm>>
      tpu.wait_dma2 semaphore(%arg29 : memref<!tpu.dma_semaphore, #tpu.memory_space<semaphore_mem>>) src(%dma_wait3A_732 : memref<32x128xf32, #tpu.memory_space<hbm>>) dst(%arg26 : memref<32x128xf32, #tpu.memory_space<vmem>>)
      %mul3A_733 = arith.constant 2 : i32
      %mul3A_734 = arith.muli %mul3A_733, %add3A_720 : i32
      %add3A_735 = vector.broadcast %mul3A_734 : i32 to vector<16xi32>
      %add3A_736 = arith.addi %add3A_735, %and3A_2 : vector<16xi32>
      %gather3A_737 = tpu.vector_load_idx %arg7[%add3A_736] : memref<1024xi32, #tpu.memory_space<vmem>>[vector<16xi32>], vector<16xi32>,
      %slice3A_738 = vector.extract_strided_slice %gather3A_737 {offsets = [0], sizes = [1], strides = [1]} : vector<16xi32> to vector<1xi32>
      %squeeze3A_739 = vector.extract %slice3A_738[0] : i32 from vector<1xi32>
      %slice3A_740 = vector.extract_strided_slice %gather3A_737 {offsets = [1], sizes = [1], strides = [1]} : vector<16xi32> to vector<1xi32>
      %squeeze3A_741 = vector.extract %slice3A_740[0] : i32 from vector<1xi32>
      %and3A_742 = arith.constant 127 : i32
      %and3A_743 = arith.andi %squeeze3A_739, %and3A_742 : i32
      %broadcast_in_dim3A_744 = vector.broadcast %and3A_743 : i32 to vector<16xi32>
      %and3A_745 = arith.constant 127 : i32
      %and3A_746 = arith.andi %squeeze3A_741, %and3A_745 : i32
      %broadcast_in_dim3A_747 = vector.broadcast %and3A_746 : i32 to vector<16xi32>
      %broadcast_in_dim3A_748 = vector.broadcast %add3A_720 : i32 to vector<16xi32>
      %gather3A_749 = tpu.vector_load_idx %arg18[%iota3A, %broadcast_in_dim3A_744] : memref<32x128xf32, #tpu.memory_space<vmem>>[vector<16xi32>, vector<16xi32>], vector<16xf32>,
      %add3A_750 = arith.constant 16 : i32
      %add3A_751 = vector.broadcast %add3A_750 : i32 to vector<16xi32>
      %add3A_752 = arith.addi %iota3A, %add3A_751 : vector<16xi32>
      %gather3A_753 = tpu.vector_load_idx %arg18[%add3A_752, %broadcast_in_dim3A_744] : memref<32x128xf32, #tpu.memory_space<vmem>>[vector<16xi32>, vector<16xi32>], vector<16xf32>,
      %gather3A_754 = tpu.vector_load_idx %arg26[%iota3A, %broadcast_in_dim3A_747] : memref<32x128xf32, #tpu.memory_space<vmem>>[vector<16xi32>, vector<16xi32>], vector<16xf32>,
      %add3A_755 = arith.constant 16 : i32
      %add3A_756 = vector.broadcast %add3A_755 : i32 to vector<16xi32>
      %add3A_757 = arith.addi %iota3A, %add3A_756 : vector<16xi32>
      %gather3A_758 = tpu.vector_load_idx %arg26[%add3A_757, %broadcast_in_dim3A_747] : memref<32x128xf32, #tpu.memory_space<vmem>>[vector<16xi32>, vector<16xi32>], vector<16xf32>,
      tpu.vector_store_idx %arg9[%iota3A, %broadcast_in_dim3A_748], %gather3A_749 : memref<32x512xf32, #tpu.memory_space<vmem>>[vector<16xi32>, vector<16xi32>], vector<16xf32>,
      %add3A_759 = arith.constant 16 : i32
      %add3A_760 = vector.broadcast %add3A_759 : i32 to vector<16xi32>
      %add3A_761 = arith.addi %iota3A, %add3A_760 : vector<16xi32>
      tpu.vector_store_idx %arg9[%add3A_761, %broadcast_in_dim3A_748], %gather3A_753 : memref<32x512xf32, #tpu.memory_space<vmem>>[vector<16xi32>, vector<16xi32>], vector<16xf32>,
      tpu.vector_store_idx %arg10[%iota3A, %broadcast_in_dim3A_748], %gather3A_754 : memref<32x512xf32, #tpu.memory_space<vmem>>[vector<16xi32>, vector<16xi32>], vector<16xf32>,
      %add3A_762 = arith.constant 16 : i32
      %add3A_763 = vector.broadcast %add3A_762 : i32 to vector<16xi32>
      %add3A_764 = arith.addi %iota3A, %add3A_763 : vector<16xi32>
      tpu.vector_store_idx %arg10[%add3A_764, %broadcast_in_dim3A_748], %gather3A_758 : memref<32x512xf32, #tpu.memory_space<vmem>>[vector<16xi32>, vector<16xi32>], vector<16xf32>,
      %add3A_765 = arith.constant 8 : i32
      %add3A_766 = arith.addi %add3A_720, %add3A_765 : i32
      %min3A_767 = arith.constant 511 : i32
      %min3A_768 = arith.minsi %add3A_766, %min3A_767 : i32
      %mul3A_769 = arith.constant 2 : i32
      %mul3A_770 = arith.muli %mul3A_769, %min3A_768 : i32
      %add3A_771 = vector.broadcast %mul3A_770 : i32 to vector<16xi32>
      %add3A_772 = arith.addi %add3A_771, %and3A_2 : vector<16xi32>
      %gather3A_773 = tpu.vector_load_idx %arg7[%add3A_772] : memref<1024xi32, #tpu.memory_space<vmem>>[vector<16xi32>], vector<16xi32>,
      %slice3A_774 = vector.extract_strided_slice %gather3A_773 {offsets = [0], sizes = [1], strides = [1]} : vector<16xi32> to vector<1xi32>
      %squeeze3A_775 = vector.extract %slice3A_774[0] : i32 from vector<1xi32>
      %slice3A_776 = vector.extract_strided_slice %gather3A_773 {offsets = [1], sizes = [1], strides = [1]} : vector<16xi32> to vector<1xi32>
      %squeeze3A_777 = vector.extract %slice3A_776[0] : i32 from vector<1xi32>
      %and3A_778 = arith.constant -128 : i32
      %and3A_779 = arith.andi %squeeze3A_775, %and3A_778 : i32
      %multiple_of3A_780 = tpu.assume_multiple %and3A_779, 128 : i32
      %and3A_781 = arith.constant -128 : i32
      %and3A_782 = arith.andi %squeeze3A_777, %and3A_781 : i32
      %multiple_of3A_783 = tpu.assume_multiple %and3A_782, 128 : i32
      %dma_start3A_784 = arith.constant 0 : i32
      %dma_start3A_785 = tpu.memref_slice %arg4[%dma_start3A_784, %multiple_of3A_780] : memref<32x1000000xf32, #tpu.memory_space<hbm>> -> memref<32x128xf32, #tpu.memory_space<hbm>>
      %dma_start3A_786 = arith.constant 0 : i32
      %dma_start3A_787 = tpu.memref_slice %arg4[%dma_start3A_786, %multiple_of3A_780] : memref<32x1000000xf32, #tpu.memory_space<hbm>> -> memref<32x128xf32, #tpu.memory_space<hbm>>
      tpu.enqueue_dma source(%dma_start3A_787 : memref<32x128xf32, #tpu.memory_space<hbm>>) target(%arg18 : memref<32x128xf32, #tpu.memory_space<vmem>>) target_semaphore(%arg28 : memref<!tpu.dma_semaphore, #tpu.memory_space<semaphore_mem>>)
      %dma_start3A_788 = arith.constant 0 : i32
      %dma_start3A_789 = tpu.memref_slice %arg5[%dma_start3A_788, %multiple_of3A_783] : memref<32x1000000xf32, #tpu.memory_space<hbm>> -> memref<32x128xf32, #tpu.memory_space<hbm>>
      %dma_start3A_790 = arith.constant 0 : i32
      %dma_start3A_791 = tpu.memref_slice %arg5[%dma_start3A_790, %multiple_of3A_783] : memref<32x1000000xf32, #tpu.memory_space<hbm>> -> memref<32x128xf32, #tpu.memory_space<hbm>>
      tpu.enqueue_dma source(%dma_start3A_791 : memref<32x128xf32, #tpu.memory_space<hbm>>) target(%arg26 : memref<32x128xf32, #tpu.memory_space<vmem>>) target_semaphore(%arg29 : memref<!tpu.dma_semaphore, #tpu.memory_space<semaphore_mem>>)
      %add3A_792 = arith.constant 7 : i32
      %add3A_793 = arith.addi %add3A_282, %add3A_792 : i32
      %dma_wait3A_794 = arith.constant 0 : i32
      %dma_wait3A_795 = arith.constant 0 : i32
      %dma_wait3A_796 = tpu.memref_slice %arg4[%dma_wait3A_794, %dma_wait3A_795] : memref<32x1000000xf32, #tpu.memory_space<hbm>> -> memref<32x128xf32, #tpu.memory_space<hbm>>
      %dma_wait3A_797 = arith.constant 0 : i32
      %dma_wait3A_798 = arith.constant 0 : i32
      %dma_wait3A_799 = tpu.memref_slice %arg4[%dma_wait3A_797, %dma_wait3A_798] : memref<32x1000000xf32, #tpu.memory_space<hbm>> -> memref<32x128xf32, #tpu.memory_space<hbm>>
      tpu.wait_dma2 semaphore(%arg28 : memref<!tpu.dma_semaphore, #tpu.memory_space<semaphore_mem>>) src(%dma_wait3A_799 : memref<32x128xf32, #tpu.memory_space<hbm>>) dst(%arg19 : memref<32x128xf32, #tpu.memory_space<vmem>>)
      %dma_wait3A_800 = arith.constant 0 : i32
      %dma_wait3A_801 = arith.constant 0 : i32
      %dma_wait3A_802 = tpu.memref_slice %arg5[%dma_wait3A_800, %dma_wait3A_801] : memref<32x1000000xf32, #tpu.memory_space<hbm>> -> memref<32x128xf32, #tpu.memory_space<hbm>>
      %dma_wait3A_803 = arith.constant 0 : i32
      %dma_wait3A_804 = arith.constant 0 : i32
      %dma_wait3A_805 = tpu.memref_slice %arg5[%dma_wait3A_803, %dma_wait3A_804] : memref<32x1000000xf32, #tpu.memory_space<hbm>> -> memref<32x128xf32, #tpu.memory_space<hbm>>
      tpu.wait_dma2 semaphore(%arg29 : memref<!tpu.dma_semaphore, #tpu.memory_space<semaphore_mem>>) src(%dma_wait3A_805 : memref<32x128xf32, #tpu.memory_space<hbm>>) dst(%arg27 : memref<32x128xf32, #tpu.memory_space<vmem>>)
      %mul3A_806 = arith.constant 2 : i32
      %mul3A_807 = arith.muli %mul3A_806, %add3A_793 : i32
      %add3A_808 = vector.broadcast %mul3A_807 : i32 to vector<16xi32>
      %add3A_809 = arith.addi %add3A_808, %and3A_2 : vector<16xi32>
      %gather3A_810 = tpu.vector_load_idx %arg7[%add3A_809] : memref<1024xi32, #tpu.memory_space<vmem>>[vector<16xi32>], vector<16xi32>,
      %slice3A_811 = vector.extract_strided_slice %gather3A_810 {offsets = [0], sizes = [1], strides = [1]} : vector<16xi32> to vector<1xi32>
      %squeeze3A_812 = vector.extract %slice3A_811[0] : i32 from vector<1xi32>
      %slice3A_813 = vector.extract_strided_slice %gather3A_810 {offsets = [1], sizes = [1], strides = [1]} : vector<16xi32> to vector<1xi32>
      %squeeze3A_814 = vector.extract %slice3A_813[0] : i32 from vector<1xi32>
      %and3A_815 = arith.constant 127 : i32
      %and3A_816 = arith.andi %squeeze3A_812, %and3A_815 : i32
      %broadcast_in_dim3A_817 = vector.broadcast %and3A_816 : i32 to vector<16xi32>
      %and3A_818 = arith.constant 127 : i32
      %and3A_819 = arith.andi %squeeze3A_814, %and3A_818 : i32
      %broadcast_in_dim3A_820 = vector.broadcast %and3A_819 : i32 to vector<16xi32>
      %broadcast_in_dim3A_821 = vector.broadcast %add3A_793 : i32 to vector<16xi32>
      %gather3A_822 = tpu.vector_load_idx %arg19[%iota3A, %broadcast_in_dim3A_817] : memref<32x128xf32, #tpu.memory_space<vmem>>[vector<16xi32>, vector<16xi32>], vector<16xf32>,
      %add3A_823 = arith.constant 16 : i32
      %add3A_824 = vector.broadcast %add3A_823 : i32 to vector<16xi32>
      %add3A_825 = arith.addi %iota3A, %add3A_824 : vector<16xi32>
      %gather3A_826 = tpu.vector_load_idx %arg19[%add3A_825, %broadcast_in_dim3A_817] : memref<32x128xf32, #tpu.memory_space<vmem>>[vector<16xi32>, vector<16xi32>], vector<16xf32>,
      %gather3A_827 = tpu.vector_load_idx %arg27[%iota3A, %broadcast_in_dim3A_820] : memref<32x128xf32, #tpu.memory_space<vmem>>[vector<16xi32>, vector<16xi32>], vector<16xf32>,
      %add3A_828 = arith.constant 16 : i32
      %add3A_829 = vector.broadcast %add3A_828 : i32 to vector<16xi32>
      %add3A_830 = arith.addi %iota3A, %add3A_829 : vector<16xi32>
      %gather3A_831 = tpu.vector_load_idx %arg27[%add3A_830, %broadcast_in_dim3A_820] : memref<32x128xf32, #tpu.memory_space<vmem>>[vector<16xi32>, vector<16xi32>], vector<16xf32>,
      tpu.vector_store_idx %arg9[%iota3A, %broadcast_in_dim3A_821], %gather3A_822 : memref<32x512xf32, #tpu.memory_space<vmem>>[vector<16xi32>, vector<16xi32>], vector<16xf32>,
      %add3A_832 = arith.constant 16 : i32
      %add3A_833 = vector.broadcast %add3A_832 : i32 to vector<16xi32>
      %add3A_834 = arith.addi %iota3A, %add3A_833 : vector<16xi32>
      tpu.vector_store_idx %arg9[%add3A_834, %broadcast_in_dim3A_821], %gather3A_826 : memref<32x512xf32, #tpu.memory_space<vmem>>[vector<16xi32>, vector<16xi32>], vector<16xf32>,
      tpu.vector_store_idx %arg10[%iota3A, %broadcast_in_dim3A_821], %gather3A_827 : memref<32x512xf32, #tpu.memory_space<vmem>>[vector<16xi32>, vector<16xi32>], vector<16xf32>,
      %add3A_835 = arith.constant 16 : i32
      %add3A_836 = vector.broadcast %add3A_835 : i32 to vector<16xi32>
      %add3A_837 = arith.addi %iota3A, %add3A_836 : vector<16xi32>
      tpu.vector_store_idx %arg10[%add3A_837, %broadcast_in_dim3A_821], %gather3A_831 : memref<32x512xf32, #tpu.memory_space<vmem>>[vector<16xi32>, vector<16xi32>], vector<16xf32>,
      %add3A_838 = arith.constant 8 : i32
      %add3A_839 = arith.addi %add3A_793, %add3A_838 : i32
      %min3A_840 = arith.constant 511 : i32
      %min3A_841 = arith.minsi %add3A_839, %min3A_840 : i32
      %mul3A_842 = arith.constant 2 : i32
      %mul3A_843 = arith.muli %mul3A_842, %min3A_841 : i32
      %add3A_844 = vector.broadcast %mul3A_843 : i32 to vector<16xi32>
      %add3A_845 = arith.addi %add3A_844, %and3A_2 : vector<16xi32>
      %gather3A_846 = tpu.vector_load_idx %arg7[%add3A_845] : memref<1024xi32, #tpu.memory_space<vmem>>[vector<16xi32>], vector<16xi32>,
      %slice3A_847 = vector.extract_strided_slice %gather3A_846 {offsets = [0], sizes = [1], strides = [1]} : vector<16xi32> to vector<1xi32>
      %squeeze3A_848 = vector.extract %slice3A_847[0] : i32 from vector<1xi32>
      %slice3A_849 = vector.extract_strided_slice %gather3A_846 {offsets = [1], sizes = [1], strides = [1]} : vector<16xi32> to vector<1xi32>
      %squeeze3A_850 = vector.extract %slice3A_849[0] : i32 from vector<1xi32>
      %and3A_851 = arith.constant -128 : i32
      %and3A_852 = arith.andi %squeeze3A_848, %and3A_851 : i32
      %multiple_of3A_853 = tpu.assume_multiple %and3A_852, 128 : i32
      %and3A_854 = arith.constant -128 : i32
      %and3A_855 = arith.andi %squeeze3A_850, %and3A_854 : i32
      %multiple_of3A_856 = tpu.assume_multiple %and3A_855, 128 : i32
      %dma_start3A_857 = arith.constant 0 : i32
      %dma_start3A_858 = tpu.memref_slice %arg4[%dma_start3A_857, %multiple_of3A_853] : memref<32x1000000xf32, #tpu.memory_space<hbm>> -> memref<32x128xf32, #tpu.memory_space<hbm>>
      %dma_start3A_859 = arith.constant 0 : i32
      %dma_start3A_860 = tpu.memref_slice %arg4[%dma_start3A_859, %multiple_of3A_853] : memref<32x1000000xf32, #tpu.memory_space<hbm>> -> memref<32x128xf32, #tpu.memory_space<hbm>>
      tpu.enqueue_dma source(%dma_start3A_860 : memref<32x128xf32, #tpu.memory_space<hbm>>) target(%arg19 : memref<32x128xf32, #tpu.memory_space<vmem>>) target_semaphore(%arg28 : memref<!tpu.dma_semaphore, #tpu.memory_space<semaphore_mem>>)
      %dma_start3A_861 = arith.constant 0 : i32
      %dma_start3A_862 = tpu.memref_slice %arg5[%dma_start3A_861, %multiple_of3A_856] : memref<32x1000000xf32, #tpu.memory_space<hbm>> -> memref<32x128xf32, #tpu.memory_space<hbm>>
      %dma_start3A_863 = arith.constant 0 : i32
      %dma_start3A_864 = tpu.memref_slice %arg5[%dma_start3A_863, %multiple_of3A_856] : memref<32x1000000xf32, #tpu.memory_space<hbm>> -> memref<32x128xf32, #tpu.memory_space<hbm>>
      tpu.enqueue_dma source(%dma_start3A_864 : memref<32x128xf32, #tpu.memory_space<hbm>>) target(%arg27 : memref<32x128xf32, #tpu.memory_space<vmem>>) target_semaphore(%arg29 : memref<!tpu.dma_semaphore, #tpu.memory_space<semaphore_mem>>)
    }
    %scan3A_177 = arith.constant 64 : i32
    %dma_wait3A = arith.constant 0 : i32
    %dma_wait3A_178 = arith.constant 0 : i32
    %dma_wait3A_179 = tpu.memref_slice %arg4[%dma_wait3A, %dma_wait3A_178] : memref<32x1000000xf32, #tpu.memory_space<hbm>> -> memref<32x128xf32, #tpu.memory_space<hbm>>
    %dma_wait3A_180 = arith.constant 0 : i32
    %dma_wait3A_181 = arith.constant 0 : i32
    %dma_wait3A_182 = tpu.memref_slice %arg4[%dma_wait3A_180, %dma_wait3A_181] : memref<32x1000000xf32, #tpu.memory_space<hbm>> -> memref<32x128xf32, #tpu.memory_space<hbm>>
    tpu.wait_dma2 semaphore(%arg28 : memref<!tpu.dma_semaphore, #tpu.memory_space<semaphore_mem>>) src(%dma_wait3A_182 : memref<32x128xf32, #tpu.memory_space<hbm>>) dst(%arg12 : memref<32x128xf32, #tpu.memory_space<vmem>>)
    %dma_wait3A_183 = arith.constant 0 : i32
    %dma_wait3A_184 = arith.constant 0 : i32
    %dma_wait3A_185 = tpu.memref_slice %arg5[%dma_wait3A_183, %dma_wait3A_184] : memref<32x1000000xf32, #tpu.memory_space<hbm>> -> memref<32x128xf32, #tpu.memory_space<hbm>>
    %dma_wait3A_186 = arith.constant 0 : i32
    %dma_wait3A_187 = arith.constant 0 : i32
    %dma_wait3A_188 = tpu.memref_slice %arg5[%dma_wait3A_186, %dma_wait3A_187] : memref<32x1000000xf32, #tpu.memory_space<hbm>> -> memref<32x128xf32, #tpu.memory_space<hbm>>
    tpu.wait_dma2 semaphore(%arg29 : memref<!tpu.dma_semaphore, #tpu.memory_space<semaphore_mem>>) src(%dma_wait3A_188 : memref<32x128xf32, #tpu.memory_space<hbm>>) dst(%arg20 : memref<32x128xf32, #tpu.memory_space<vmem>>)
    %dma_wait3A_189 = arith.constant 0 : i32
    %dma_wait3A_190 = arith.constant 0 : i32
    %dma_wait3A_191 = tpu.memref_slice %arg4[%dma_wait3A_189, %dma_wait3A_190] : memref<32x1000000xf32, #tpu.memory_space<hbm>> -> memref<32x128xf32, #tpu.memory_space<hbm>>
    %dma_wait3A_192 = arith.constant 0 : i32
    %dma_wait3A_193 = arith.constant 0 : i32
    %dma_wait3A_194 = tpu.memref_slice %arg4[%dma_wait3A_192, %dma_wait3A_193] : memref<32x1000000xf32, #tpu.memory_space<hbm>> -> memref<32x128xf32, #tpu.memory_space<hbm>>
    tpu.wait_dma2 semaphore(%arg28 : memref<!tpu.dma_semaphore, #tpu.memory_space<semaphore_mem>>) src(%dma_wait3A_194 : memref<32x128xf32, #tpu.memory_space<hbm>>) dst(%arg13 : memref<32x128xf32, #tpu.memory_space<vmem>>)
    %dma_wait3A_195 = arith.constant 0 : i32
    %dma_wait3A_196 = arith.constant 0 : i32
    %dma_wait3A_197 = tpu.memref_slice %arg5[%dma_wait3A_195, %dma_wait3A_196] : memref<32x1000000xf32, #tpu.memory_space<hbm>> -> memref<32x128xf32, #tpu.memory_space<hbm>>
    %dma_wait3A_198 = arith.constant 0 : i32
    %dma_wait3A_199 = arith.constant 0 : i32
    %dma_wait3A_200 = tpu.memref_slice %arg5[%dma_wait3A_198, %dma_wait3A_199] : memref<32x1000000xf32, #tpu.memory_space<hbm>> -> memref<32x128xf32, #tpu.memory_space<hbm>>
    tpu.wait_dma2 semaphore(%arg29 : memref<!tpu.dma_semaphore, #tpu.memory_space<semaphore_mem>>) src(%dma_wait3A_200 : memref<32x128xf32, #tpu.memory_space<hbm>>) dst(%arg21 : memref<32x128xf32, #tpu.memory_space<vmem>>)
    %dma_wait3A_201 = arith.constant 0 : i32
    %dma_wait3A_202 = arith.constant 0 : i32
    %dma_wait3A_203 = tpu.memref_slice %arg4[%dma_wait3A_201, %dma_wait3A_202] : memref<32x1000000xf32, #tpu.memory_space<hbm>> -> memref<32x128xf32, #tpu.memory_space<hbm>>
    %dma_wait3A_204 = arith.constant 0 : i32
    %dma_wait3A_205 = arith.constant 0 : i32
    %dma_wait3A_206 = tpu.memref_slice %arg4[%dma_wait3A_204, %dma_wait3A_205] : memref<32x1000000xf32, #tpu.memory_space<hbm>> -> memref<32x128xf32, #tpu.memory_space<hbm>>
    tpu.wait_dma2 semaphore(%arg28 : memref<!tpu.dma_semaphore, #tpu.memory_space<semaphore_mem>>) src(%dma_wait3A_206 : memref<32x128xf32, #tpu.memory_space<hbm>>) dst(%arg14 : memref<32x128xf32, #tpu.memory_space<vmem>>)
    %dma_wait3A_207 = arith.constant 0 : i32
    %dma_wait3A_208 = arith.constant 0 : i32
    %dma_wait3A_209 = tpu.memref_slice %arg5[%dma_wait3A_207, %dma_wait3A_208] : memref<32x1000000xf32, #tpu.memory_space<hbm>> -> memref<32x128xf32, #tpu.memory_space<hbm>>
    %dma_wait3A_210 = arith.constant 0 : i32
    %dma_wait3A_211 = arith.constant 0 : i32
    %dma_wait3A_212 = tpu.memref_slice %arg5[%dma_wait3A_210, %dma_wait3A_211] : memref<32x1000000xf32, #tpu.memory_space<hbm>> -> memref<32x128xf32, #tpu.memory_space<hbm>>
    tpu.wait_dma2 semaphore(%arg29 : memref<!tpu.dma_semaphore, #tpu.memory_space<semaphore_mem>>) src(%dma_wait3A_212 : memref<32x128xf32, #tpu.memory_space<hbm>>) dst(%arg22 : memref<32x128xf32, #tpu.memory_space<vmem>>)
    %dma_wait3A_213 = arith.constant 0 : i32
    %dma_wait3A_214 = arith.constant 0 : i32
    %dma_wait3A_215 = tpu.memref_slice %arg4[%dma_wait3A_213, %dma_wait3A_214] : memref<32x1000000xf32, #tpu.memory_space<hbm>> -> memref<32x128xf32, #tpu.memory_space<hbm>>
    %dma_wait3A_216 = arith.constant 0 : i32
    %dma_wait3A_217 = arith.constant 0 : i32
    %dma_wait3A_218 = tpu.memref_slice %arg4[%dma_wait3A_216, %dma_wait3A_217] : memref<32x1000000xf32, #tpu.memory_space<hbm>> -> memref<32x128xf32, #tpu.memory_space<hbm>>
    tpu.wait_dma2 semaphore(%arg28 : memref<!tpu.dma_semaphore, #tpu.memory_space<semaphore_mem>>) src(%dma_wait3A_218 : memref<32x128xf32, #tpu.memory_space<hbm>>) dst(%arg15 : memref<32x128xf32, #tpu.memory_space<vmem>>)
    %dma_wait3A_219 = arith.constant 0 : i32
    %dma_wait3A_220 = arith.constant 0 : i32
    %dma_wait3A_221 = tpu.memref_slice %arg5[%dma_wait3A_219, %dma_wait3A_220] : memref<32x1000000xf32, #tpu.memory_space<hbm>> -> memref<32x128xf32, #tpu.memory_space<hbm>>
    %dma_wait3A_222 = arith.constant 0 : i32
    %dma_wait3A_223 = arith.constant 0 : i32
    %dma_wait3A_224 = tpu.memref_slice %arg5[%dma_wait3A_222, %dma_wait3A_223] : memref<32x1000000xf32, #tpu.memory_space<hbm>> -> memref<32x128xf32, #tpu.memory_space<hbm>>
    tpu.wait_dma2 semaphore(%arg29 : memref<!tpu.dma_semaphore, #tpu.memory_space<semaphore_mem>>) src(%dma_wait3A_224 : memref<32x128xf32, #tpu.memory_space<hbm>>) dst(%arg23 : memref<32x128xf32, #tpu.memory_space<vmem>>)
    %dma_wait3A_225 = arith.constant 0 : i32
    %dma_wait3A_226 = arith.constant 0 : i32
    %dma_wait3A_227 = tpu.memref_slice %arg4[%dma_wait3A_225, %dma_wait3A_226] : memref<32x1000000xf32, #tpu.memory_space<hbm>> -> memref<32x128xf32, #tpu.memory_space<hbm>>
    %dma_wait3A_228 = arith.constant 0 : i32
    %dma_wait3A_229 = arith.constant 0 : i32
    %dma_wait3A_230 = tpu.memref_slice %arg4[%dma_wait3A_228, %dma_wait3A_229] : memref<32x1000000xf32, #tpu.memory_space<hbm>> -> memref<32x128xf32, #tpu.memory_space<hbm>>
    tpu.wait_dma2 semaphore(%arg28 : memref<!tpu.dma_semaphore, #tpu.memory_space<semaphore_mem>>) src(%dma_wait3A_230 : memref<32x128xf32, #tpu.memory_space<hbm>>) dst(%arg16 : memref<32x128xf32, #tpu.memory_space<vmem>>)
    %dma_wait3A_231 = arith.constant 0 : i32
    %dma_wait3A_232 = arith.constant 0 : i32
    %dma_wait3A_233 = tpu.memref_slice %arg5[%dma_wait3A_231, %dma_wait3A_232] : memref<32x1000000xf32, #tpu.memory_space<hbm>> -> memref<32x128xf32, #tpu.memory_space<hbm>>
    %dma_wait3A_234 = arith.constant 0 : i32
    %dma_wait3A_235 = arith.constant 0 : i32
    %dma_wait3A_236 = tpu.memref_slice %arg5[%dma_wait3A_234, %dma_wait3A_235] : memref<32x1000000xf32, #tpu.memory_space<hbm>> -> memref<32x128xf32, #tpu.memory_space<hbm>>
    tpu.wait_dma2 semaphore(%arg29 : memref<!tpu.dma_semaphore, #tpu.memory_space<semaphore_mem>>) src(%dma_wait3A_236 : memref<32x128xf32, #tpu.memory_space<hbm>>) dst(%arg24 : memref<32x128xf32, #tpu.memory_space<vmem>>)
    %dma_wait3A_237 = arith.constant 0 : i32
    %dma_wait3A_238 = arith.constant 0 : i32
    %dma_wait3A_239 = tpu.memref_slice %arg4[%dma_wait3A_237, %dma_wait3A_238] : memref<32x1000000xf32, #tpu.memory_space<hbm>> -> memref<32x128xf32, #tpu.memory_space<hbm>>
    %dma_wait3A_240 = arith.constant 0 : i32
    %dma_wait3A_241 = arith.constant 0 : i32
    %dma_wait3A_242 = tpu.memref_slice %arg4[%dma_wait3A_240, %dma_wait3A_241] : memref<32x1000000xf32, #tpu.memory_space<hbm>> -> memref<32x128xf32, #tpu.memory_space<hbm>>
    tpu.wait_dma2 semaphore(%arg28 : memref<!tpu.dma_semaphore, #tpu.memory_space<semaphore_mem>>) src(%dma_wait3A_242 : memref<32x128xf32, #tpu.memory_space<hbm>>) dst(%arg17 : memref<32x128xf32, #tpu.memory_space<vmem>>)
    %dma_wait3A_243 = arith.constant 0 : i32
    %dma_wait3A_244 = arith.constant 0 : i32
    %dma_wait3A_245 = tpu.memref_slice %arg5[%dma_wait3A_243, %dma_wait3A_244] : memref<32x1000000xf32, #tpu.memory_space<hbm>> -> memref<32x128xf32, #tpu.memory_space<hbm>>
    %dma_wait3A_246 = arith.constant 0 : i32
    %dma_wait3A_247 = arith.constant 0 : i32
    %dma_wait3A_248 = tpu.memref_slice %arg5[%dma_wait3A_246, %dma_wait3A_247] : memref<32x1000000xf32, #tpu.memory_space<hbm>> -> memref<32x128xf32, #tpu.memory_space<hbm>>
    tpu.wait_dma2 semaphore(%arg29 : memref<!tpu.dma_semaphore, #tpu.memory_space<semaphore_mem>>) src(%dma_wait3A_248 : memref<32x128xf32, #tpu.memory_space<hbm>>) dst(%arg25 : memref<32x128xf32, #tpu.memory_space<vmem>>)
    %dma_wait3A_249 = arith.constant 0 : i32
    %dma_wait3A_250 = arith.constant 0 : i32
    %dma_wait3A_251 = tpu.memref_slice %arg4[%dma_wait3A_249, %dma_wait3A_250] : memref<32x1000000xf32, #tpu.memory_space<hbm>> -> memref<32x128xf32, #tpu.memory_space<hbm>>
    %dma_wait3A_252 = arith.constant 0 : i32
    %dma_wait3A_253 = arith.constant 0 : i32
    %dma_wait3A_254 = tpu.memref_slice %arg4[%dma_wait3A_252, %dma_wait3A_253] : memref<32x1000000xf32, #tpu.memory_space<hbm>> -> memref<32x128xf32, #tpu.memory_space<hbm>>
    tpu.wait_dma2 semaphore(%arg28 : memref<!tpu.dma_semaphore, #tpu.memory_space<semaphore_mem>>) src(%dma_wait3A_254 : memref<32x128xf32, #tpu.memory_space<hbm>>) dst(%arg18 : memref<32x128xf32, #tpu.memory_space<vmem>>)
    %dma_wait3A_255 = arith.constant 0 : i32
    %dma_wait3A_256 = arith.constant 0 : i32
    %dma_wait3A_257 = tpu.memref_slice %arg5[%dma_wait3A_255, %dma_wait3A_256] : memref<32x1000000xf32, #tpu.memory_space<hbm>> -> memref<32x128xf32, #tpu.memory_space<hbm>>
    %dma_wait3A_258 = arith.constant 0 : i32
    %dma_wait3A_259 = arith.constant 0 : i32
    %dma_wait3A_260 = tpu.memref_slice %arg5[%dma_wait3A_258, %dma_wait3A_259] : memref<32x1000000xf32, #tpu.memory_space<hbm>> -> memref<32x128xf32, #tpu.memory_space<hbm>>
    tpu.wait_dma2 semaphore(%arg29 : memref<!tpu.dma_semaphore, #tpu.memory_space<semaphore_mem>>) src(%dma_wait3A_260 : memref<32x128xf32, #tpu.memory_space<hbm>>) dst(%arg26 : memref<32x128xf32, #tpu.memory_space<vmem>>)
    %dma_wait3A_261 = arith.constant 0 : i32
    %dma_wait3A_262 = arith.constant 0 : i32
    %dma_wait3A_263 = tpu.memref_slice %arg4[%dma_wait3A_261, %dma_wait3A_262] : memref<32x1000000xf32, #tpu.memory_space<hbm>> -> memref<32x128xf32, #tpu.memory_space<hbm>>
    %dma_wait3A_264 = arith.constant 0 : i32
    %dma_wait3A_265 = arith.constant 0 : i32
    %dma_wait3A_266 = tpu.memref_slice %arg4[%dma_wait3A_264, %dma_wait3A_265] : memref<32x1000000xf32, #tpu.memory_space<hbm>> -> memref<32x128xf32, #tpu.memory_space<hbm>>
    tpu.wait_dma2 semaphore(%arg28 : memref<!tpu.dma_semaphore, #tpu.memory_space<semaphore_mem>>) src(%dma_wait3A_266 : memref<32x128xf32, #tpu.memory_space<hbm>>) dst(%arg19 : memref<32x128xf32, #tpu.memory_space<vmem>>)
    %dma_wait3A_267 = arith.constant 0 : i32
    %dma_wait3A_268 = arith.constant 0 : i32
    %dma_wait3A_269 = tpu.memref_slice %arg5[%dma_wait3A_267, %dma_wait3A_268] : memref<32x1000000xf32, #tpu.memory_space<hbm>> -> memref<32x128xf32, #tpu.memory_space<hbm>>
    %dma_wait3A_270 = arith.constant 0 : i32
    %dma_wait3A_271 = arith.constant 0 : i32
    %dma_wait3A_272 = tpu.memref_slice %arg5[%dma_wait3A_270, %dma_wait3A_271] : memref<32x1000000xf32, #tpu.memory_space<hbm>> -> memref<32x128xf32, #tpu.memory_space<hbm>>
    tpu.wait_dma2 semaphore(%arg29 : memref<!tpu.dma_semaphore, #tpu.memory_space<semaphore_mem>>) src(%dma_wait3A_272 : memref<32x128xf32, #tpu.memory_space<hbm>>) dst(%arg27 : memref<32x128xf32, #tpu.memory_space<vmem>>)
    %scan3A_273 = arith.constant 0 : i32
    %scan3A_274 = arith.constant 32 : i32
    %scan3A_275 = arith.addi %scan3A_273, %scan3A_274 : i32
    %scan3A_276 = arith.constant 1 : i32
    scf.for %scan3A_278 = %scan3A_273 to %scan3A_275 step %scan3A_276  : i32 {
      %mul3A_279 = arith.constant 16 : i32
      %mul3A_280 = arith.muli %scan3A_278, %mul3A_279 : i32
      %add3A_281 = arith.constant 0 : i32
      %add3A_282 = arith.addi %add3A_281, %mul3A_280 : i32
      %broadcast_in_dim3A = arith.constant 0.000000e+00 : f32
      %broadcast_in_dim3A_283 = vector.broadcast %broadcast_in_dim3A : f32 to vector<16xf32>
      %broadcast_in_dim3A_284 = arith.constant 0.000000e+00 : f32
      %broadcast_in_dim3A_285 = vector.broadcast %broadcast_in_dim3A_284 : f32 to vector<16xf32>
      %get3A = arith.constant 0 : i32
      %get3A_286 = arith.index_cast %get3A : i32 to index
      %get3A_287 = arith.index_cast %add3A_282 : i32 to index
      %get3A_288 = tpu.vector_load %arg9[%get3A_286, %get3A_287] {strides = array<i32>} : memref<32x512xf32, #tpu.memory_space<vmem>>, vector<16xf32>,
      %get3A_289 = arith.constant 0 : i32
      %get3A_290 = arith.index_cast %get3A_289 : i32 to index
      %get3A_291 = arith.index_cast %add3A_282 : i32 to index
      %get3A_292 = tpu.vector_load %arg10[%get3A_290, %get3A_291] {strides = array<i32>} : memref<32x512xf32, #tpu.memory_space<vmem>>, vector<16xf32>,
      %mul3A_293 = arith.mulf %get3A_288, %get3A_292 : vector<16xf32>
      %add3A_294 = arith.addf %broadcast_in_dim3A_283, %mul3A_293 : vector<16xf32>
      %get3A_295 = arith.constant 1 : i32
      %get3A_296 = arith.index_cast %get3A_295 : i32 to index
      %get3A_297 = arith.index_cast %add3A_282 : i32 to index
      %get3A_298 = tpu.vector_load %arg9[%get3A_296, %get3A_297] {strides = array<i32>} : memref<32x512xf32, #tpu.memory_space<vmem>>, vector<16xf32>,
      %get3A_299 = arith.constant 1 : i32
      %get3A_300 = arith.index_cast %get3A_299 : i32 to index
      %get3A_301 = arith.index_cast %add3A_282 : i32 to index
      %get3A_302 = tpu.vector_load %arg10[%get3A_300, %get3A_301] {strides = array<i32>} : memref<32x512xf32, #tpu.memory_space<vmem>>, vector<16xf32>,
      %mul3A_303 = arith.mulf %get3A_298, %get3A_302 : vector<16xf32>
      %add3A_304 = arith.addf %broadcast_in_dim3A_285, %mul3A_303 : vector<16xf32>
      %get3A_305 = arith.constant 2 : i32
      %get3A_306 = arith.index_cast %get3A_305 : i32 to index
      %get3A_307 = arith.index_cast %add3A_282 : i32 to index
      %get3A_308 = tpu.vector_load %arg9[%get3A_306, %get3A_307] {strides = array<i32>} : memref<32x512xf32, #tpu.memory_space<vmem>>, vector<16xf32>,
      %get3A_309 = arith.constant 2 : i32
      %get3A_310 = arith.index_cast %get3A_309 : i32 to index
      %get3A_311 = arith.index_cast %add3A_282 : i32 to index
      %get3A_312 = tpu.vector_load %arg10[%get3A_310, %get3A_311] {strides = array<i32>} : memref<32x512xf32, #tpu.memory_space<vmem>>, vector<16xf32>,
      %mul3A_313 = arith.mulf %get3A_308, %get3A_312 : vector<16xf32>
      %add3A_314 = arith.addf %add3A_294, %mul3A_313 : vector<16xf32>
      %get3A_315 = arith.constant 3 : i32
      %get3A_316 = arith.index_cast %get3A_315 : i32 to index
      %get3A_317 = arith.index_cast %add3A_282 : i32 to index
      %get3A_318 = tpu.vector_load %arg9[%get3A_316, %get3A_317] {strides = array<i32>} : memref<32x512xf32, #tpu.memory_space<vmem>>, vector<16xf32>,
      %get3A_319 = arith.constant 3 : i32
      %get3A_320 = arith.index_cast %get3A_319 : i32 to index
      %get3A_321 = arith.index_cast %add3A_282 : i32 to index
      %get3A_322 = tpu.vector_load %arg10[%get3A_320, %get3A_321] {strides = array<i32>} : memref<32x512xf32, #tpu.memory_space<vmem>>, vector<16xf32>,
      %mul3A_323 = arith.mulf %get3A_318, %get3A_322 : vector<16xf32>
      %add3A_324 = arith.addf %add3A_304, %mul3A_323 : vector<16xf32>
      %get3A_325 = arith.constant 4 : i32
      %get3A_326 = arith.index_cast %get3A_325 : i32 to index
      %get3A_327 = arith.index_cast %add3A_282 : i32 to index
      %get3A_328 = tpu.vector_load %arg9[%get3A_326, %get3A_327] {strides = array<i32>} : memref<32x512xf32, #tpu.memory_space<vmem>>, vector<16xf32>,
      %get3A_329 = arith.constant 4 : i32
      %get3A_330 = arith.index_cast %get3A_329 : i32 to index
      %get3A_331 = arith.index_cast %add3A_282 : i32 to index
      %get3A_332 = tpu.vector_load %arg10[%get3A_330, %get3A_331] {strides = array<i32>} : memref<32x512xf32, #tpu.memory_space<vmem>>, vector<16xf32>,
      %mul3A_333 = arith.mulf %get3A_328, %get3A_332 : vector<16xf32>
      %add3A_334 = arith.addf %add3A_314, %mul3A_333 : vector<16xf32>
      %get3A_335 = arith.constant 5 : i32
      %get3A_336 = arith.index_cast %get3A_335 : i32 to index
      %get3A_337 = arith.index_cast %add3A_282 : i32 to index
      %get3A_338 = tpu.vector_load %arg9[%get3A_336, %get3A_337] {strides = array<i32>} : memref<32x512xf32, #tpu.memory_space<vmem>>, vector<16xf32>,
      %get3A_339 = arith.constant 5 : i32
      %get3A_340 = arith.index_cast %get3A_339 : i32 to index
      %get3A_341 = arith.index_cast %add3A_282 : i32 to index
      %get3A_342 = tpu.vector_load %arg10[%get3A_340, %get3A_341] {strides = array<i32>} : memref<32x512xf32, #tpu.memory_space<vmem>>, vector<16xf32>,
      %mul3A_343 = arith.mulf %get3A_338, %get3A_342 : vector<16xf32>
      %add3A_344 = arith.addf %add3A_324, %mul3A_343 : vector<16xf32>
      %get3A_345 = arith.constant 6 : i32
      %get3A_346 = arith.index_cast %get3A_345 : i32 to index
      %get3A_347 = arith.index_cast %add3A_282 : i32 to index
      %get3A_348 = tpu.vector_load %arg9[%get3A_346, %get3A_347] {strides = array<i32>} : memref<32x512xf32, #tpu.memory_space<vmem>>, vector<16xf32>,
      %get3A_349 = arith.constant 6 : i32
      %get3A_350 = arith.index_cast %get3A_349 : i32 to index
      %get3A_351 = arith.index_cast %add3A_282 : i32 to index
      %get3A_352 = tpu.vector_load %arg10[%get3A_350, %get3A_351] {strides = array<i32>} : memref<32x512xf32, #tpu.memory_space<vmem>>, vector<16xf32>,
      %mul3A_353 = arith.mulf %get3A_348, %get3A_352 : vector<16xf32>
      %add3A_354 = arith.addf %add3A_334, %mul3A_353 : vector<16xf32>
      %get3A_355 = arith.constant 7 : i32
      %get3A_356 = arith.index_cast %get3A_355 : i32 to index
      %get3A_357 = arith.index_cast %add3A_282 : i32 to index
      %get3A_358 = tpu.vector_load %arg9[%get3A_356, %get3A_357] {strides = array<i32>} : memref<32x512xf32, #tpu.memory_space<vmem>>, vector<16xf32>,
      %get3A_359 = arith.constant 7 : i32
      %get3A_360 = arith.index_cast %get3A_359 : i32 to index
      %get3A_361 = arith.index_cast %add3A_282 : i32 to index
      %get3A_362 = tpu.vector_load %arg10[%get3A_360, %get3A_361] {strides = array<i32>} : memref<32x512xf32, #tpu.memory_space<vmem>>, vector<16xf32>,
      %mul3A_363 = arith.mulf %get3A_358, %get3A_362 : vector<16xf32>
      %add3A_364 = arith.addf %add3A_344, %mul3A_363 : vector<16xf32>
      %get3A_365 = arith.constant 8 : i32
      %get3A_366 = arith.index_cast %get3A_365 : i32 to index
      %get3A_367 = arith.index_cast %add3A_282 : i32 to index
      %get3A_368 = tpu.vector_load %arg9[%get3A_366, %get3A_367] {strides = array<i32>} : memref<32x512xf32, #tpu.memory_space<vmem>>, vector<16xf32>,
      %get3A_369 = arith.constant 8 : i32
      %get3A_370 = arith.index_cast %get3A_369 : i32 to index
      %get3A_371 = arith.index_cast %add3A_282 : i32 to index
      %get3A_372 = tpu.vector_load %arg10[%get3A_370, %get3A_371] {strides = array<i32>} : memref<32x512xf32, #tpu.memory_space<vmem>>, vector<16xf32>,
      %mul3A_373 = arith.mulf %get3A_368, %get3A_372 : vector<16xf32>
      %add3A_374 = arith.addf %add3A_354, %mul3A_373 : vector<16xf32>
      %get3A_375 = arith.constant 9 : i32
      %get3A_376 = arith.index_cast %get3A_375 : i32 to index
      %get3A_377 = arith.index_cast %add3A_282 : i32 to index
      %get3A_378 = tpu.vector_load %arg9[%get3A_376, %get3A_377] {strides = array<i32>} : memref<32x512xf32, #tpu.memory_space<vmem>>, vector<16xf32>,
      %get3A_379 = arith.constant 9 : i32
      %get3A_380 = arith.index_cast %get3A_379 : i32 to index
      %get3A_381 = arith.index_cast %add3A_282 : i32 to index
      %get3A_382 = tpu.vector_load %arg10[%get3A_380, %get3A_381] {strides = array<i32>} : memref<32x512xf32, #tpu.memory_space<vmem>>, vector<16xf32>,
      %mul3A_383 = arith.mulf %get3A_378, %get3A_382 : vector<16xf32>
      %add3A_384 = arith.addf %add3A_364, %mul3A_383 : vector<16xf32>
      %get3A_385 = arith.constant 10 : i32
      %get3A_386 = arith.index_cast %get3A_385 : i32 to index
      %get3A_387 = arith.index_cast %add3A_282 : i32 to index
      %get3A_388 = tpu.vector_load %arg9[%get3A_386, %get3A_387] {strides = array<i32>} : memref<32x512xf32, #tpu.memory_space<vmem>>, vector<16xf32>,
      %get3A_389 = arith.constant 10 : i32
      %get3A_390 = arith.index_cast %get3A_389 : i32 to index
      %get3A_391 = arith.index_cast %add3A_282 : i32 to index
      %get3A_392 = tpu.vector_load %arg10[%get3A_390, %get3A_391] {strides = array<i32>} : memref<32x512xf32, #tpu.memory_space<vmem>>, vector<16xf32>,
      %mul3A_393 = arith.mulf %get3A_388, %get3A_392 : vector<16xf32>
      %add3A_394 = arith.addf %add3A_374, %mul3A_393 : vector<16xf32>
      %get3A_395 = arith.constant 11 : i32
      %get3A_396 = arith.index_cast %get3A_395 : i32 to index
      %get3A_397 = arith.index_cast %add3A_282 : i32 to index
      %get3A_398 = tpu.vector_load %arg9[%get3A_396, %get3A_397] {strides = array<i32>} : memref<32x512xf32, #tpu.memory_space<vmem>>, vector<16xf32>,
      %get3A_399 = arith.constant 11 : i32
      %get3A_400 = arith.index_cast %get3A_399 : i32 to index
      %get3A_401 = arith.index_cast %add3A_282 : i32 to index
      %get3A_402 = tpu.vector_load %arg10[%get3A_400, %get3A_401] {strides = array<i32>} : memref<32x512xf32, #tpu.memory_space<vmem>>, vector<16xf32>,
      %mul3A_403 = arith.mulf %get3A_398, %get3A_402 : vector<16xf32>
      %add3A_404 = arith.addf %add3A_384, %mul3A_403 : vector<16xf32>
      %get3A_405 = arith.constant 12 : i32
      %get3A_406 = arith.index_cast %get3A_405 : i32 to index
      %get3A_407 = arith.index_cast %add3A_282 : i32 to index
      %get3A_408 = tpu.vector_load %arg9[%get3A_406, %get3A_407] {strides = array<i32>} : memref<32x512xf32, #tpu.memory_space<vmem>>, vector<16xf32>,
      %get3A_409 = arith.constant 12 : i32
      %get3A_410 = arith.index_cast %get3A_409 : i32 to index
      %get3A_411 = arith.index_cast %add3A_282 : i32 to index
      %get3A_412 = tpu.vector_load %arg10[%get3A_410, %get3A_411] {strides = array<i32>} : memref<32x512xf32, #tpu.memory_space<vmem>>, vector<16xf32>,
      %mul3A_413 = arith.mulf %get3A_408, %get3A_412 : vector<16xf32>
      %add3A_414 = arith.addf %add3A_394, %mul3A_413 : vector<16xf32>
      %get3A_415 = arith.constant 13 : i32
      %get3A_416 = arith.index_cast %get3A_415 : i32 to index
      %get3A_417 = arith.index_cast %add3A_282 : i32 to index
      %get3A_418 = tpu.vector_load %arg9[%get3A_416, %get3A_417] {strides = array<i32>} : memref<32x512xf32, #tpu.memory_space<vmem>>, vector<16xf32>,
      %get3A_419 = arith.constant 13 : i32
      %get3A_420 = arith.index_cast %get3A_419 : i32 to index
      %get3A_421 = arith.index_cast %add3A_282 : i32 to index
      %get3A_422 = tpu.vector_load %arg10[%get3A_420, %get3A_421] {strides = array<i32>} : memref<32x512xf32, #tpu.memory_space<vmem>>, vector<16xf32>,
      %mul3A_423 = arith.mulf %get3A_418, %get3A_422 : vector<16xf32>
      %add3A_424 = arith.addf %add3A_404, %mul3A_423 : vector<16xf32>
      %get3A_425 = arith.constant 14 : i32
      %get3A_426 = arith.index_cast %get3A_425 : i32 to index
      %get3A_427 = arith.index_cast %add3A_282 : i32 to index
      %get3A_428 = tpu.vector_load %arg9[%get3A_426, %get3A_427] {strides = array<i32>} : memref<32x512xf32, #tpu.memory_space<vmem>>, vector<16xf32>,
      %get3A_429 = arith.constant 14 : i32
      %get3A_430 = arith.index_cast %get3A_429 : i32 to index
      %get3A_431 = arith.index_cast %add3A_282 : i32 to index
      %get3A_432 = tpu.vector_load %arg10[%get3A_430, %get3A_431] {strides = array<i32>} : memref<32x512xf32, #tpu.memory_space<vmem>>, vector<16xf32>,
      %mul3A_433 = arith.mulf %get3A_428, %get3A_432 : vector<16xf32>
      %add3A_434 = arith.addf %add3A_414, %mul3A_433 : vector<16xf32>
      %get3A_435 = arith.constant 15 : i32
      %get3A_436 = arith.index_cast %get3A_435 : i32 to index
      %get3A_437 = arith.index_cast %add3A_282 : i32 to index
      %get3A_438 = tpu.vector_load %arg9[%get3A_436, %get3A_437] {strides = array<i32>} : memref<32x512xf32, #tpu.memory_space<vmem>>, vector<16xf32>,
      %get3A_439 = arith.constant 15 : i32
      %get3A_440 = arith.index_cast %get3A_439 : i32 to index
      %get3A_441 = arith.index_cast %add3A_282 : i32 to index
      %get3A_442 = tpu.vector_load %arg10[%get3A_440, %get3A_441] {strides = array<i32>} : memref<32x512xf32, #tpu.memory_space<vmem>>, vector<16xf32>,
      %mul3A_443 = arith.mulf %get3A_438, %get3A_442 : vector<16xf32>
      %add3A_444 = arith.addf %add3A_424, %mul3A_443 : vector<16xf32>
      %get3A_445 = arith.constant 16 : i32
      %get3A_446 = arith.index_cast %get3A_445 : i32 to index
      %get3A_447 = arith.index_cast %add3A_282 : i32 to index
      %get3A_448 = tpu.vector_load %arg9[%get3A_446, %get3A_447] {strides = array<i32>} : memref<32x512xf32, #tpu.memory_space<vmem>>, vector<16xf32>,
      %get3A_449 = arith.constant 16 : i32
      %get3A_450 = arith.index_cast %get3A_449 : i32 to index
      %get3A_451 = arith.index_cast %add3A_282 : i32 to index
      %get3A_452 = tpu.vector_load %arg10[%get3A_450, %get3A_451] {strides = array<i32>} : memref<32x512xf32, #tpu.memory_space<vmem>>, vector<16xf32>,
      %mul3A_453 = arith.mulf %get3A_448, %get3A_452 : vector<16xf32>
      %add3A_454 = arith.addf %add3A_434, %mul3A_453 : vector<16xf32>
      %get3A_455 = arith.constant 17 : i32
      %get3A_456 = arith.index_cast %get3A_455 : i32 to index
      %get3A_457 = arith.index_cast %add3A_282 : i32 to index
      %get3A_458 = tpu.vector_load %arg9[%get3A_456, %get3A_457] {strides = array<i32>} : memref<32x512xf32, #tpu.memory_space<vmem>>, vector<16xf32>,
      %get3A_459 = arith.constant 17 : i32
      %get3A_460 = arith.index_cast %get3A_459 : i32 to index
      %get3A_461 = arith.index_cast %add3A_282 : i32 to index
      %get3A_462 = tpu.vector_load %arg10[%get3A_460, %get3A_461] {strides = array<i32>} : memref<32x512xf32, #tpu.memory_space<vmem>>, vector<16xf32>,
      %mul3A_463 = arith.mulf %get3A_458, %get3A_462 : vector<16xf32>
      %add3A_464 = arith.addf %add3A_444, %mul3A_463 : vector<16xf32>
      %get3A_465 = arith.constant 18 : i32
      %get3A_466 = arith.index_cast %get3A_465 : i32 to index
      %get3A_467 = arith.index_cast %add3A_282 : i32 to index
      %get3A_468 = tpu.vector_load %arg9[%get3A_466, %get3A_467] {strides = array<i32>} : memref<32x512xf32, #tpu.memory_space<vmem>>, vector<16xf32>,
      %get3A_469 = arith.constant 18 : i32
      %get3A_470 = arith.index_cast %get3A_469 : i32 to index
      %get3A_471 = arith.index_cast %add3A_282 : i32 to index
      %get3A_472 = tpu.vector_load %arg10[%get3A_470, %get3A_471] {strides = array<i32>} : memref<32x512xf32, #tpu.memory_space<vmem>>, vector<16xf32>,
      %mul3A_473 = arith.mulf %get3A_468, %get3A_472 : vector<16xf32>
      %add3A_474 = arith.addf %add3A_454, %mul3A_473 : vector<16xf32>
      %get3A_475 = arith.constant 19 : i32
      %get3A_476 = arith.index_cast %get3A_475 : i32 to index
      %get3A_477 = arith.index_cast %add3A_282 : i32 to index
      %get3A_478 = tpu.vector_load %arg9[%get3A_476, %get3A_477] {strides = array<i32>} : memref<32x512xf32, #tpu.memory_space<vmem>>, vector<16xf32>,
      %get3A_479 = arith.constant 19 : i32
      %get3A_480 = arith.index_cast %get3A_479 : i32 to index
      %get3A_481 = arith.index_cast %add3A_282 : i32 to index
      %get3A_482 = tpu.vector_load %arg10[%get3A_480, %get3A_481] {strides = array<i32>} : memref<32x512xf32, #tpu.memory_space<vmem>>, vector<16xf32>,
      %mul3A_483 = arith.mulf %get3A_478, %get3A_482 : vector<16xf32>
      %add3A_484 = arith.addf %add3A_464, %mul3A_483 : vector<16xf32>
      %get3A_485 = arith.constant 20 : i32
      %get3A_486 = arith.index_cast %get3A_485 : i32 to index
      %get3A_487 = arith.index_cast %add3A_282 : i32 to index
      %get3A_488 = tpu.vector_load %arg9[%get3A_486, %get3A_487] {strides = array<i32>} : memref<32x512xf32, #tpu.memory_space<vmem>>, vector<16xf32>,
      %get3A_489 = arith.constant 20 : i32
      %get3A_490 = arith.index_cast %get3A_489 : i32 to index
      %get3A_491 = arith.index_cast %add3A_282 : i32 to index
      %get3A_492 = tpu.vector_load %arg10[%get3A_490, %get3A_491] {strides = array<i32>} : memref<32x512xf32, #tpu.memory_space<vmem>>, vector<16xf32>,
      %mul3A_493 = arith.mulf %get3A_488, %get3A_492 : vector<16xf32>
      %add3A_494 = arith.addf %add3A_474, %mul3A_493 : vector<16xf32>
      %get3A_495 = arith.constant 21 : i32
      %get3A_496 = arith.index_cast %get3A_495 : i32 to index
      %get3A_497 = arith.index_cast %add3A_282 : i32 to index
      %get3A_498 = tpu.vector_load %arg9[%get3A_496, %get3A_497] {strides = array<i32>} : memref<32x512xf32, #tpu.memory_space<vmem>>, vector<16xf32>,
      %get3A_499 = arith.constant 21 : i32
      %get3A_500 = arith.index_cast %get3A_499 : i32 to index
      %get3A_501 = arith.index_cast %add3A_282 : i32 to index
      %get3A_502 = tpu.vector_load %arg10[%get3A_500, %get3A_501] {strides = array<i32>} : memref<32x512xf32, #tpu.memory_space<vmem>>, vector<16xf32>,
      %mul3A_503 = arith.mulf %get3A_498, %get3A_502 : vector<16xf32>
      %add3A_504 = arith.addf %add3A_484, %mul3A_503 : vector<16xf32>
      %get3A_505 = arith.constant 22 : i32
      %get3A_506 = arith.index_cast %get3A_505 : i32 to index
      %get3A_507 = arith.index_cast %add3A_282 : i32 to index
      %get3A_508 = tpu.vector_load %arg9[%get3A_506, %get3A_507] {strides = array<i32>} : memref<32x512xf32, #tpu.memory_space<vmem>>, vector<16xf32>,
      %get3A_509 = arith.constant 22 : i32
      %get3A_510 = arith.index_cast %get3A_509 : i32 to index
      %get3A_511 = arith.index_cast %add3A_282 : i32 to index
      %get3A_512 = tpu.vector_load %arg10[%get3A_510, %get3A_511] {strides = array<i32>} : memref<32x512xf32, #tpu.memory_space<vmem>>, vector<16xf32>,
      %mul3A_513 = arith.mulf %get3A_508, %get3A_512 : vector<16xf32>
      %add3A_514 = arith.addf %add3A_494, %mul3A_513 : vector<16xf32>
      %get3A_515 = arith.constant 23 : i32
      %get3A_516 = arith.index_cast %get3A_515 : i32 to index
      %get3A_517 = arith.index_cast %add3A_282 : i32 to index
      %get3A_518 = tpu.vector_load %arg9[%get3A_516, %get3A_517] {strides = array<i32>} : memref<32x512xf32, #tpu.memory_space<vmem>>, vector<16xf32>,
      %get3A_519 = arith.constant 23 : i32
      %get3A_520 = arith.index_cast %get3A_519 : i32 to index
      %get3A_521 = arith.index_cast %add3A_282 : i32 to index
      %get3A_522 = tpu.vector_load %arg10[%get3A_520, %get3A_521] {strides = array<i32>} : memref<32x512xf32, #tpu.memory_space<vmem>>, vector<16xf32>,
      %mul3A_523 = arith.mulf %get3A_518, %get3A_522 : vector<16xf32>
      %add3A_524 = arith.addf %add3A_504, %mul3A_523 : vector<16xf32>
      %get3A_525 = arith.constant 24 : i32
      %get3A_526 = arith.index_cast %get3A_525 : i32 to index
      %get3A_527 = arith.index_cast %add3A_282 : i32 to index
      %get3A_528 = tpu.vector_load %arg9[%get3A_526, %get3A_527] {strides = array<i32>} : memref<32x512xf32, #tpu.memory_space<vmem>>, vector<16xf32>,
      %get3A_529 = arith.constant 24 : i32
      %get3A_530 = arith.index_cast %get3A_529 : i32 to index
      %get3A_531 = arith.index_cast %add3A_282 : i32 to index
      %get3A_532 = tpu.vector_load %arg10[%get3A_530, %get3A_531] {strides = array<i32>} : memref<32x512xf32, #tpu.memory_space<vmem>>, vector<16xf32>,
      %mul3A_533 = arith.mulf %get3A_528, %get3A_532 : vector<16xf32>
      %add3A_534 = arith.addf %add3A_514, %mul3A_533 : vector<16xf32>
      %get3A_535 = arith.constant 25 : i32
      %get3A_536 = arith.index_cast %get3A_535 : i32 to index
      %get3A_537 = arith.index_cast %add3A_282 : i32 to index
      %get3A_538 = tpu.vector_load %arg9[%get3A_536, %get3A_537] {strides = array<i32>} : memref<32x512xf32, #tpu.memory_space<vmem>>, vector<16xf32>,
      %get3A_539 = arith.constant 25 : i32
      %get3A_540 = arith.index_cast %get3A_539 : i32 to index
      %get3A_541 = arith.index_cast %add3A_282 : i32 to index
      %get3A_542 = tpu.vector_load %arg10[%get3A_540, %get3A_541] {strides = array<i32>} : memref<32x512xf32, #tpu.memory_space<vmem>>, vector<16xf32>,
      %mul3A_543 = arith.mulf %get3A_538, %get3A_542 : vector<16xf32>
      %add3A_544 = arith.addf %add3A_524, %mul3A_543 : vector<16xf32>
      %get3A_545 = arith.constant 26 : i32
      %get3A_546 = arith.index_cast %get3A_545 : i32 to index
      %get3A_547 = arith.index_cast %add3A_282 : i32 to index
      %get3A_548 = tpu.vector_load %arg9[%get3A_546, %get3A_547] {strides = array<i32>} : memref<32x512xf32, #tpu.memory_space<vmem>>, vector<16xf32>,
      %get3A_549 = arith.constant 26 : i32
      %get3A_550 = arith.index_cast %get3A_549 : i32 to index
      %get3A_551 = arith.index_cast %add3A_282 : i32 to index
      %get3A_552 = tpu.vector_load %arg10[%get3A_550, %get3A_551] {strides = array<i32>} : memref<32x512xf32, #tpu.memory_space<vmem>>, vector<16xf32>,
      %mul3A_553 = arith.mulf %get3A_548, %get3A_552 : vector<16xf32>
      %add3A_554 = arith.addf %add3A_534, %mul3A_553 : vector<16xf32>
      %get3A_555 = arith.constant 27 : i32
      %get3A_556 = arith.index_cast %get3A_555 : i32 to index
      %get3A_557 = arith.index_cast %add3A_282 : i32 to index
      %get3A_558 = tpu.vector_load %arg9[%get3A_556, %get3A_557] {strides = array<i32>} : memref<32x512xf32, #tpu.memory_space<vmem>>, vector<16xf32>,
      %get3A_559 = arith.constant 27 : i32
      %get3A_560 = arith.index_cast %get3A_559 : i32 to index
      %get3A_561 = arith.index_cast %add3A_282 : i32 to index
      %get3A_562 = tpu.vector_load %arg10[%get3A_560, %get3A_561] {strides = array<i32>} : memref<32x512xf32, #tpu.memory_space<vmem>>, vector<16xf32>,
      %mul3A_563 = arith.mulf %get3A_558, %get3A_562 : vector<16xf32>
      %add3A_564 = arith.addf %add3A_544, %mul3A_563 : vector<16xf32>
      %get3A_565 = arith.constant 28 : i32
      %get3A_566 = arith.index_cast %get3A_565 : i32 to index
      %get3A_567 = arith.index_cast %add3A_282 : i32 to index
      %get3A_568 = tpu.vector_load %arg9[%get3A_566, %get3A_567] {strides = array<i32>} : memref<32x512xf32, #tpu.memory_space<vmem>>, vector<16xf32>,
      %get3A_569 = arith.constant 28 : i32
      %get3A_570 = arith.index_cast %get3A_569 : i32 to index
      %get3A_571 = arith.index_cast %add3A_282 : i32 to index
      %get3A_572 = tpu.vector_load %arg10[%get3A_570, %get3A_571] {strides = array<i32>} : memref<32x512xf32, #tpu.memory_space<vmem>>, vector<16xf32>,
      %mul3A_573 = arith.mulf %get3A_568, %get3A_572 : vector<16xf32>
      %add3A_574 = arith.addf %add3A_554, %mul3A_573 : vector<16xf32>
      %get3A_575 = arith.constant 29 : i32
      %get3A_576 = arith.index_cast %get3A_575 : i32 to index
      %get3A_577 = arith.index_cast %add3A_282 : i32 to index
      %get3A_578 = tpu.vector_load %arg9[%get3A_576, %get3A_577] {strides = array<i32>} : memref<32x512xf32, #tpu.memory_space<vmem>>, vector<16xf32>,
      %get3A_579 = arith.constant 29 : i32
      %get3A_580 = arith.index_cast %get3A_579 : i32 to index
      %get3A_581 = arith.index_cast %add3A_282 : i32 to index
      %get3A_582 = tpu.vector_load %arg10[%get3A_580, %get3A_581] {strides = array<i32>} : memref<32x512xf32, #tpu.memory_space<vmem>>, vector<16xf32>,
      %mul3A_583 = arith.mulf %get3A_578, %get3A_582 : vector<16xf32>
      %add3A_584 = arith.addf %add3A_564, %mul3A_583 : vector<16xf32>
      %get3A_585 = arith.constant 30 : i32
      %get3A_586 = arith.index_cast %get3A_585 : i32 to index
      %get3A_587 = arith.index_cast %add3A_282 : i32 to index
      %get3A_588 = tpu.vector_load %arg9[%get3A_586, %get3A_587] {strides = array<i32>} : memref<32x512xf32, #tpu.memory_space<vmem>>, vector<16xf32>,
      %get3A_589 = arith.constant 30 : i32
      %get3A_590 = arith.index_cast %get3A_589 : i32 to index
      %get3A_591 = arith.index_cast %add3A_282 : i32 to index
      %get3A_592 = tpu.vector_load %arg10[%get3A_590, %get3A_591] {strides = array<i32>} : memref<32x512xf32, #tpu.memory_space<vmem>>, vector<16xf32>,
      %mul3A_593 = arith.mulf %get3A_588, %get3A_592 : vector<16xf32>
      %add3A_594 = arith.addf %add3A_574, %mul3A_593 : vector<16xf32>
      %get3A_595 = arith.constant 31 : i32
      %get3A_596 = arith.index_cast %get3A_595 : i32 to index
      %get3A_597 = arith.index_cast %add3A_282 : i32 to index
      %get3A_598 = tpu.vector_load %arg9[%get3A_596, %get3A_597] {strides = array<i32>} : memref<32x512xf32, #tpu.memory_space<vmem>>, vector<16xf32>,
      %get3A_599 = arith.constant 31 : i32
      %get3A_600 = arith.index_cast %get3A_599 : i32 to index
      %get3A_601 = arith.index_cast %add3A_282 : i32 to index
      %get3A_602 = tpu.vector_load %arg10[%get3A_600, %get3A_601] {strides = array<i32>} : memref<32x512xf32, #tpu.memory_space<vmem>>, vector<16xf32>,
      %mul3A_603 = arith.mulf %get3A_598, %get3A_602 : vector<16xf32>
      %add3A_604 = arith.addf %add3A_584, %mul3A_603 : vector<16xf32>
      %get3A_605 = arith.index_cast %add3A_282 : i32 to index
      %get3A_606 = tpu.vector_load %arg8[%get3A_605] {strides = array<i32>} : memref<512xf32, #tpu.memory_space<vmem>>, vector<16xf32>,
      %add3A_607 = arith.addf %add3A_594, %add3A_604 : vector<16xf32>
      %mul3A_608 = arith.mulf %get3A_606, %add3A_607 : vector<16xf32>
      %neg3A = arith.constant 0.000000e+00 : f32
      %neg3A_609 = vector.broadcast %neg3A : f32 to vector<16xf32>
      %neg3A_610 = arith.subf %neg3A_609, %mul3A_608 : vector<16xf32>
      %exp3A = math.exp %neg3A_610 : vector<16xf32>
      %add3A_611 = arith.constant 1.000000e+00 : f32
      %add3A_612 = vector.broadcast %add3A_611 : f32 to vector<16xf32>
      %add3A_613 = arith.addf %add3A_612, %exp3A : vector<16xf32>
      %div3A = arith.constant -1.000000e+00 : f32
      %div3A_614 = vector.broadcast %div3A : f32 to vector<16xf32>
      %div3A_615 = arith.divf %div3A_614, %add3A_613 : vector<16xf32>
      %swap3A = arith.index_cast %add3A_282 : i32 to index
      %swap3A_616 = tpu.vector_load %arg11[%swap3A] {strides = array<i32>} : memref<512xf32, #tpu.memory_space<vmem>>, vector<16xf32>,
      tpu.vector_store %arg11[%swap3A], %div3A_615 {strides = array<i32>} : memref<512xf32, #tpu.memory_space<vmem>>, vector<16xf32>,
    }
    %scan3A_277 = arith.constant 32 : i32
    "tpu.region"() ({
      %run_scoped3A = tpu.sem_alloc : memref<!tpu.dma_semaphore, #tpu.memory_space<semaphore_mem>>
      %dma_start3A_278 = arith.constant 0 : i32
      %dma_start3A_279 = tpu.memref_slice %arg6[%add3A, %dma_start3A_278] : memref<32x512xf32, #tpu.memory_space<hbm>> -> memref<1x512xf32, #tpu.memory_space<hbm>>
      %dma_start3A_280 = tpu.memref_squeeze %dma_start3A_279 : memref<1x512xf32, #tpu.memory_space<hbm>> -> memref<512xf32, #tpu.memory_space<hbm>>
      %dma_start3A_281 = arith.constant 0 : i32
      %dma_start3A_282 = tpu.memref_slice %arg6[%add3A, %dma_start3A_281] : memref<32x512xf32, #tpu.memory_space<hbm>> -> memref<1x512xf32, #tpu.memory_space<hbm>>
      %dma_start3A_283 = tpu.memref_squeeze %dma_start3A_282 : memref<1x512xf32, #tpu.memory_space<hbm>> -> memref<512xf32, #tpu.memory_space<hbm>>
      tpu.enqueue_dma source(%arg11 : memref<512xf32, #tpu.memory_space<vmem>>) target(%dma_start3A_283 : memref<512xf32, #tpu.memory_space<hbm>>) target_semaphore(%run_scoped3A : memref<!tpu.dma_semaphore, #tpu.memory_space<semaphore_mem>>)
      %dma_wait3A_284 = arith.constant 0 : i32
      %dma_wait3A_285 = tpu.memref_slice %arg6[%add3A, %dma_wait3A_284] : memref<32x512xf32, #tpu.memory_space<hbm>> -> memref<1x512xf32, #tpu.memory_space<hbm>>
      %dma_wait3A_286 = tpu.memref_squeeze %dma_wait3A_285 : memref<1x512xf32, #tpu.memory_space<hbm>> -> memref<512xf32, #tpu.memory_space<hbm>>
      %dma_wait3A_287 = arith.constant 0 : i32
      %dma_wait3A_288 = tpu.memref_slice %arg6[%add3A, %dma_wait3A_287] : memref<32x512xf32, #tpu.memory_space<hbm>> -> memref<1x512xf32, #tpu.memory_space<hbm>>
      %dma_wait3A_289 = tpu.memref_squeeze %dma_wait3A_288 : memref<1x512xf32, #tpu.memory_space<hbm>> -> memref<512xf32, #tpu.memory_space<hbm>>
      tpu.wait_dma2 semaphore(%run_scoped3A : memref<!tpu.dma_semaphore, #tpu.memory_space<semaphore_mem>>) src(%arg11 : memref<512xf32, #tpu.memory_space<vmem>>) dst(%dma_wait3A_289 : memref<512xf32, #tpu.memory_space<hbm>>)
      tpu.yield
    }) : () -> ()
    return
  }
}

</mosaic_0001>

<sc_bundles>
// kernel: kernel.3.cloned.1.call-start
scs
__scs_entry_jumppad:
0x0: {  	(pc) =	sbr.rel $0x88, $3  }
0x1: {  	(tag) =	ssettag $0x0;
	lr =	simm.s32 $0x1  }
0x2: {  	[smem:$0x3F9E] =	sst lr;
	_ =	strace $0xD0000000  }
0x3: {  	_ = 	snop  }
0x4: {  	_ = 	snop  }
0x5: {  	_ = 	snop  }
0x6: {  	_ = 	snop  }
0x7: {  	_ = 	snop  }
__scs_overlays_trampoline_lowered:
0x8: {  	[smem:$0x3FAD] =	sst s0  }
0x9: {  	[smem:$0x3FAE] =	sst s1  }
0xa: {  	[smem:$0x3FAF] =	sst s2  }
0xb: {  	[smem:$0x3FB0] =	sst s3  }
0xc: {  	[smem:$0x3FB1] =	sst s4  }
0xd: {  	[smem:$0x3FB2] =	sst s5  }
0xe: {  	[smem:$0x3FB3] =	sst s6  }
0xf: {  	[smem:$0x3FB4] =	sst s7  }
0x10: {  	[smem:$0x3FB5] =	sst s8  }
0x11: {  	[smem:$0x3FB6] =	sst s9;
	s0 =	simm.s32 @!p0 $0x0  }
0x12: {  	s1 =	sld [smem:$0x3F9C];
	s0 =	simm.s32 @p0 $0x1  }
0x13: {  	[smem:$0x3FB7] =	sst s0;
	s0 =	simm.s32 @!p1 $0x0  }
0x14: {  	s2 =	sld [smem:$0x3F9B];
	s0 =	simm.s32 @p1 $0x1  }
0x15: {  	[smem:$0x3FB8] =	sst s0;
	s0 =	simm.s32 @!p2 $0x0  }
0x16: {  	s3 =	sld [smem:$0x3FDB];
	s0 =	simm.s32 @p2 $0x1  }
0x17: {  	s4 =	simm.s32 $0x1BF5;
	[smem:$0x3FBA] =	sst s0  }
0x18: {  	s0 =	sld [smem:$0x3F9D];
	_ =	swait.ge [sflag:s4], $0x0  }
0x19: {  	s7 =	sld [smem:$0x3F9E]  }
0x1a: {  	s8 =	sadd.s32 $0xFFFFE003, lr  }
0x1b: {  	s9 =	sadd.s32 $0xFFFFFEF7, lr;
	s5 =	simm.s32 $0xFFFFFFFF;
	p2 =	slt.u32 s8, $0xFFFFF086  }
0x1c: {  	p1 =	slt.u32 s9, $0xF7A;
	s5 =	simm.s32 @!p2 $0x0  }
0x1d: {  	s5 =	simm.s32 @p1 $0x1;
	p0 =	seq.s32 s7, s2  }
0x1e: {  	s7 =	smul.u32 @!p0 $0xF7A, s2;
	p2 =	seq.s32 @!p0 s5, $0x0  }
0x1f: {  	s9 =	smul.u32 $0xF7A, s1;
	s8 =	simm.s32 @!p0 $0x1BF5;
	p2 =	por !p2, p0  }
0x20: {  	[sflag:s8] =	ssyncset.s32 @!p0 $0xFFFFF086;
	s6 =	sadd.s32 @!p0 s3, s7;
	s7 =	simm.s32 @!p0 $0x108  }
0x21: {  	s3 =	sadd.s32 s3, s9;
	s6 =	sadd.s32 @!p0 $0x88, s6;
	s7 =	simm.s32 @p2 $0x1082  }
0x22: {  	[simem:s7], [sflag:s8] =	dma.local @!p0 [hbm:s6], $0xF7A  }
0x23: {  	s9 =	sor.u32 $0xD0000000, s2;
	s6 =	simm.s32 $0x108;
	_ =	swait.ge @!p0 [sflag:s8], $0x0  }
0x24: {  	s3 =	sadd.s32 $0x88, s3;
	s6 =	simm.s32 @!p1 $0x1082;
	[sflag:s4] =	ssyncset.s32 $0xFFFFF086  }
0x25: {  	[simem:s6], [sflag:s4] =	dma.local [hbm:s3], $0xF7A  }
0x26: {  	[smem:$0x3F9E] =	sst s1;
	(tag) =	ssettag s2;
	_ =	strace s9  }
0x27: {  	s1 =	sld [smem:$0x3FAE]  }
0x28: {  	s2 =	sld [smem:$0x3FAF]  }
0x29: {  	s4 =	sld [smem:$0x3FB1]  }
0x2a: {  	p0 =	seq.s32 s5, $0x0;
	s5 =	sld [smem:$0x3FB2]  }
0x2b: {  	s6 =	sld [smem:$0x3FB3]  }
0x2c: {  	s7 =	sld [smem:$0x3FB4]  }
0x2d: {  	s3 =	simm.s32 $0x108;
	s8 =	sld [smem:$0x3FB5]  }
0x2e: {  	s3 =	simm.s32 @!p0 $0x1082;
	s9 =	sld [smem:$0x3FB6]  }
0x2f: {  	lr =	sadd.s32 s0, s3;
	s0 =	sld [smem:$0x3FAD]  }
0x30: {  	s3 =	sld [smem:$0x3FB0]  }
0x31: {  	[smem:$0x3FB9] =	sst s10  }
0x32: {  	s10 =	sld [smem:$0x3FB7];
	_ =	sdelay $0x3  }
0x33: {  	p0 =	seq.s32 s10, $0x1;
	s10 =	sld [smem:$0x3FB9];
	_ =	sdelay $0x3  }
0x34: {  	[smem:$0x3FB9] =	sst s10  }
0x35: {  	s10 =	sld [smem:$0x3FB8];
	_ =	sdelay $0x3  }
0x36: {  	p1 =	seq.s32 s10, $0x1;
	s10 =	sld [smem:$0x3FB9];
	_ =	sdelay $0x3  }
0x37: {  	[smem:$0x3FB9] =	sst s10  }
0x38: {  	s10 =	sld [smem:$0x3FBA]  }
0x39: {  	_ = 	snop;
	(pc) =	sbr.ind lr, $3  }
0x3a: {  	_ = 	snop  }
0x3b: {  	_ = 	snop  }
0x3c: {  	p2 =	seq.s32 s10, $0x1;
	s10 =	sld [smem:$0x3FB9]  }
0x3d: {  	_ =	shalt  }
0x3e: {  	_ =	shalt  }
0x3f: {  	_ =	shalt  }
0x40: {  	_ =	shalt  }
0x41: {  	_ =	shalt  }
0x42: {  	_ =	shalt  }
0x43: {  	_ =	shalt  }
0x44: {  	_ =	shalt  }
0x45: {  	_ =	shalt  }
0x46: {  	_ =	shalt  }
0x47: {  	_ =	shalt  }
0x48: {  	_ =	shalt  }
0x49: {  	_ =	shalt  }
0x4a: {  	_ =	shalt  }
0x4b: {  	_ =	shalt  }
0x4c: {  	_ =	shalt  }
0x4d: {  	_ =	shalt  }
0x4e: {  	_ =	shalt  }
0x4f: {  	_ =	shalt  }
0x50: {  	_ =	shalt  }
0x51: {  	_ =	shalt  }
0x52: {  	_ =	shalt  }
0x53: {  	_ =	shalt  }
0x54: {  	_ =	shalt  }
0x55: {  	_ =	shalt  }
0x56: {  	_ =	shalt  }
0x57: {  	_ =	shalt  }
0x58: {  	_ =	shalt  }
0x59: {  	_ =	shalt  }
0x5a: {  	_ =	shalt  }
0x5b: {  	_ =	shalt  }
0x5c: {  	_ =	shalt  }
0x5d: {  	_ =	shalt  }
0x5e: {  	_ =	shalt  }
0x5f: {  	_ =	shalt  }
0x60: {  	_ =	shalt  }
0x61: {  	_ =	shalt  }
0x62: {  	_ =	shalt  }
0x63: {  	_ =	shalt  }
0x64: {  	_ =	shalt  }
0x65: {  	_ =	shalt  }
0x66: {  	_ =	shalt  }
0x67: {  	_ =	shalt  }
0x68: {  	_ =	shalt  }
0x69: {  	_ =	shalt  }
0x6a: {  	_ =	shalt  }
0x6b: {  	_ =	shalt  }
0x6c: {  	_ =	shalt  }
0x6d: {  	_ =	shalt  }
0x6e: {  	_ =	shalt  }
0x6f: {  	_ =	shalt  }
0x70: {  	_ =	shalt  }
0x71: {  	_ =	shalt  }
0x72: {  	_ =	shalt  }
0x73: {  	_ =	shalt  }
0x74: {  	_ =	shalt  }
0x75: {  	_ =	shalt  }
0x76: {  	_ =	shalt  }
0x77: {  	_ =	shalt  }
0x78: {  	_ =	shalt  }
0x79: {  	_ =	shalt  }
0x7a: {  	_ =	shalt  }
0x7b: {  	_ =	shalt  }
0x7c: {  	_ =	shalt  }
0x7d: {  	_ =	shalt  }
0x7e: {  	_ =	shalt  }
0x7f: {  	_ =	shalt  }
0x80: {  	_ =	shalt  }
0x81: {  	_ =	shalt  }
0x82: {  	_ =	shalt  }
0x83: {  	_ =	shalt  }
0x84: {  	_ =	shalt  }
0x85: {  	_ =	shalt  }
0x86: {  	_ =	shalt  }
0x87: {  	_ =	shalt  }
.Lfunc_end0:
.L_simem_size_0:
called_computation_lowered:
.L_overlay_start_0:
0x88: {  	s2 =	sld [smem:$0x3FD9]  }
0x89: {  	s3 =	sld [smem:$0x3FFE];
	_ =	sdelay $0x1  }
0x8a: {  	s1 =	srdreg.scid  }
0x8b: {  	s0 =	sand.u32 $0x1, s1  }
0x8c: {  	s17 =	sshll.u32 s0, $0xA;
	s2 =	sadd.s32 s3, s2  }
0x8d: {  	s2 =	sadd.s32 s2, s17  }
0x8e: {  	[smem:$0x3FC5] =	sst s2  }
0x8f: {  	_ = 	snop  }
0x90: {  	s2 =	sld [smem:$0x3FC8]  }
0x91: {  	s18 =	sld [smem:$0x3FC7]  }
0x92: {  	s4 =	sld [smem:$0x3FD0];
	(tm) =	ssettm $0x1  }
0x93: {  	s5 =	sld [smem:$0x3FFB];
	_ =	sdelay $0x3  }
0x94: {  	_ =	strace s5  }
0x95: {  	s5 =	sld [smem:$0x3FFC];
	_ =	sdelay $0x3  }
0x96: {  	_ =	strace s5  }
0x97: {  	s5 =	sld [smem:$0x3FFD];
	_ =	sdelay $0x3  }
0x98: {  	_ =	strace s5  }
0x99: {  	_ =	strace $0x8FFFFFFF  }
0x9a: {  	s19 =	sld [smem:$0x3FDB];
	_ =	sdelay $0x1  }
0x9b: {  	s6 =	simm.s32 $_scs_section_size  }
0x9c: {  	s7 =	simm.s32 $_size__tile_overlayer_lowered;
	s8 =	simm.s32 $_tile_overlayer_lowered  }
0x9d: {  	s22 =	simm.s32 $0x1BFF;
	s21 =	sshll.u32 s8, $0x1;
	s5 =	sadd.s32 s6, s19  }
0x9e: {  	s9 =	simm.s32 $0x0;
	s20 =	sshll.u32 s7, $0x1;
	s7 =	sadd.s32 s21, s5  }
0x9f: {  	[timem:s9], [sflag:s22] =	dma.local [hbm:s7], s20  }
0xa0: {  	_ =	swait.ge [sflag:s22], s20  }
0xa1: {  	s6 =	ssub.s32 $0x0, s20;
	[sflag:s22] =	ssyncset.done $0x0  }
0xa2: {  	[sflag:s22] =	ssyncadd.s32 s6;
	_ =	sdelay $0x1  }
0xa3: {  	s23 =	simm.s32 $0x1B8B  }
0xa4: {  	_ =	swait.ge [sflag:s23], $0x1  }
0xa5: {  	[sflag:s23] =	ssyncset.done $0x0  }
0xa6: {  	s25 =	simm.s32 $0x1B8E;
	s24 =	sld [smem:$0x3FFE];
	[sflag:s23] =	ssyncadd.s32 $0xFFFFFFFF  }
0xa7: {  	s26 =	simm.s32 $execute0_lowered;
	[smem:$0x3FD2] =	sst s25  }
0xa8: {  	s7 =	sshll.u32 s26, $0x1;
	_ =	strace $0x80000046;
	[dreg:$0x1] =	wrdreg $0xFFFFFFFF  }
0xa9: {  	s28 =	simm.s32 $_size_execute0_lowered;
	s5 =	sadd.s32 s5, s7;
	[dreg:$0x0] =	wrdreg $0x0  }
0xaa: {  	s7 =	sshll.u32 s28, $0x1;
	[dreg:$0x2] =	wrdreg s5  }
0xab: {  	[dreg:$0x3] =	wrdreg s7  }
0xac: {  	[dreg:$0x4] =	wrdreg $0xC0  }
0xad: {  	_ =	task [dreg:s9], $0x5FFFF  }
0xae: {  	[dreg:$0x1] =	wrdreg $0xFFFFFFFF  }
0xaf: {  	[dreg:$0x0] =	wrdreg $0x60  }
0xb0: {  	[dreg:$0x2] =	wrdreg s24  }
0xb1: {  	[dreg:$0x3] =	wrdreg s4  }
0xb2: {  	[dreg:$0x4] =	wrdreg s2  }
0xb3: {  	[dreg:$0x5] =	wrdreg s18  }
0xb4: {  	[dreg:$0x6] =	wrdreg $0x9  }
0xb5: {  	_ =	task.clear_ibuf [dreg:s9], $0x7FFFF;
	_ =	strace $0x90000046  }
0xb6: {  	s29 =	simm.s32 $0x9;
	_ =	strace $0x80000048  }
0xb7: {  	_ =	swait.ge [sflag:s29], $0x1  }
0xb8: {  	[sflag:s29] =	ssyncadd.s32 $0xFFFFFFFF  }
0xb9: {  	_ =	strace $0x90000048  }
0xba: {  	_ =	sfence  }
0xbb: {  	s30 =	sld [smem:$0x0];
	_ =	sdelay $0x2  }
0xbc: {  	s31 =	sshll.u32 s1, $0xD;
	s1 =	sshrl.u32 s1, $0x2  }
0xbd: {  	s3 =	sand.u32 $0x4000, s31;
	s1 =	sadd.s32 s1, s30  }
0xbe: {  	s0 =	sor.u32 s3, s0;
	s1 =	sshll.u32 s1, $0x11  }
0xbf: {  	s0 =	sor.u32 s1, s0  }
0xc0: {  	s0 =	sadd.s32 $0x8F2B, s0  }
0xc1: {  	[sflag:s0] =	ssyncadd.remote.s32 $0x1  }
0xc2: {  	_ =	sfence.sel $0xFFFF  }
0xc3: {  	[dreg:$0x0] =	wrdreg $0xFFFFFFFF;
	(pc) =	sbr.abs _section_cstart, $3  }
0xc4: {  	[dreg:$0x1] =	wrdreg $0xFFFFFFFF  }
0xc5: {  	_ =	task.clear_ibuf [dreg:s9], $0x2FFFF;
	_ =	strace $0x9FFFFFFF  }
0xc6: {  	(tm) =	ssettm $0x7FFFFFFF  }
0xc7: {  	_ =	shalt  }
tec
execute0_lowered:
.L_overlay_start_1:
0x0: {  	(tag) =	ssettag $0x1  }
0x1: {  	s0 =	rddreg [dreg:$0x0]  }
0x2: {  	s3 =	rddreg [dreg:$0x1]  }
0x3: {  	s1 =	rddreg [dreg:$0x2];
	v9 =	vimm.s32 $0x1380  }
0x4: {  	s2 =	rddreg [dreg:$0x3];
	vm0 =	vcmask $0x300;
	v10 =	vimm.s32 $0x3380;
	vm1 =	vcmask $0x704  }
0x5: {  	s4 =	simm.s32 $0x0;
	s5 =	srdreg.scid;
	s7 =	stileid.u32;
	vm15 =	vcmask $0xB08;
	vm4 =	vcmask $0xF0C;
	vm5 =	vcmask $0x1310  }
0x6: {  	v8 =	vlaneseq.u32;
	vm6 =	vcmask $0x1714;
	vm7 =	vcmask $0x1B18;
	s10 =	simm.s32 $0x400;
	s12 =	simm.s32 $0x7A1400;
	s11 =	simm.s32 $0x8800  }
0x7: {  	vm8 =	vcmask $0x1F1C;
	vm9 =	vcmask $0x2320;
	s13 =	simm.s32 $0x10800;
	s14 =	simm.s32 $0x9800;
	s16 =	simm.s32 $0x11800;
	vm10 =	vcmask $0x2724  }
0x8: {  	s17 =	simm.s32 $0xA800;
	s18 =	simm.s32 $0x12800;
	s19 =	simm.s32 $0xB800;
	vm11 =	vcmask $0x2B28;
	v9 =	vsel vm0, $0x0, v9;
	v10 =	vsel vm0, $0x2000, v10  }
0x9: {  	s20 =	simm.s32 $0x13800;
	s21 =	simm.s32 $0xC800;
	vm12 =	vcmask $0x2F2C;
	s28 =	simm.s32 $0xF800;
	v9 =	vsel vm1, $0x80, v9;
	v10 =	vsel vm1, $0x2080, v10  }
0xa: {  	vm13 =	vcmask $0x3330;
	s29 =	simm.s32 $0x17800;
	s30 =	simm.s32 $0x1;
	s31 =	simm.s32 $0x2;
	v9 =	vsel vm15, $0x100, v9;
	v10 =	vsel vm15, $0x2100, v10  }
0xb: {  	vm14 =	vcmask $0x3734;
	[smem:$0x7FF] =	sst s4;
	s5 =	sand.u32 $0x1, s5;
	s6 =	sshll.u32 s7, $0x8;
	v9 =	vsel vm4, $0x180, v9;
	v10 =	vsel vm4, $0x2180, v10  }
0xc: {  	v0 =	vand.u32 $0x1, v8;
	s7 =	sshrl.u32 s7, $0x2;
	s8 =	sshll.u32 s5, $0x7;
	s6 =	sand.u32 $0x300, s6;
	v9 =	vsel vm5, $0x200, v9;
	v10 =	vsel vm5, $0x2200, v10  }
0xd: {  	v7 =	vor.u32 $0xE, v8;
	_ =	strace $0x80000047;
	s22 =	sshll.u32 s7, $0xC;
	s5 =	ssub.s32 $0x2, s5;
	v9 =	vsel vm6, $0x280, v9;
	v10 =	vsel vm6, $0x2280, v10  }
0xe: {  	v8 =	vmul.u32 $0x80, v8;
	s7 =	sshll.u32 s7, $0xD;
	s6 =	sor.u32 s8, s6;
	s9 =	sshrl.u32 s5, $0x1;
	v9 =	vsel vm7, $0x300, v9;
	v10 =	vsel vm7, $0x2300, v10  }
0xf: {  	v1 =	vor.u32 $0x2, v0;
	s8 =	sor.u32 s22, s6;
	s6 =	sor.u32 s7, s6;
	s5 =	ssub.s32 s5, s9;
	v9 =	vsel vm8, $0x380, v9;
	v10 =	vsel vm8, $0x2380, v10  }
0x10: {  	v2 =	vor.u32 $0x4, v0;
	s7 =	simm.s32 $0x3;
	s22 =	simm.s32 $0x14800;
	s8 =	sshrl.u32 s8, $0x3;
	v9 =	vsel vm9, $0x1000, v9;
	v10 =	vsel vm9, $0x3000, v10  }
0x11: {  	v3 =	vor.u32 $0x6, v0;
	s6 =	sshrl.u32 s6, $0x3;
	s26 =	smax.u32 s5, $0x1;
	s23 =	sadd.s32 s8, s0;
	v9 =	vsel vm10, $0x1080, v9;
	v10 =	vsel vm10, $0x3080, v10  }
0x12: {  	v4 =	vor.u32 $0x8, v0;
	s0 =	sadd.s32 s0, s6;
	s24 =	sadd.s32 s3, s8;
	[dreg:$0x8] =	wrdreg s26;
	v9 =	vsel vm11, $0x1100, v9;
	v10 =	vsel vm11, $0x3100, v10  }
0x13: {  	v5 =	vor.u32 $0xA, v0;
	s6 =	simm.s32 $0x80;
	s26 =	simm.s32 $0x16800;
	[dreg:$0x5] =	wrdreg s0;
	v9 =	vsel vm12, $0x1180, v9;
	v10 =	vsel vm12, $0x3180, v10  }
0x14: {  	v6 =	vor.u32 $0xC, v0;
	s3 =	simm.s32 $0x4600;
	s8 =	simm.s32 $0x0;
	[dreg:$0x6] =	wrdreg s24;
	v9 =	vsel vm13, $0x1200, v9;
	v10 =	vsel vm13, $0x3200, v10  }
0x15: {  	vm15 =	vcmask $0x3B38;
	s25 =	sadd.s32 $0x1000, s23;
	s23 =	simm.s32 $0xD800;
	s24 =	simm.s32 $0x15800;
	v11 =	vsel vm14, $0x1280, v9;
	v12 =	vsel vm14, $0x3280, v10  }
0x16: {  	s0 =	simm.s32 $0x600;
	[dreg:$0x7] =	wrdreg s25;
	s25 =	simm.s32 $0xE800;
	v9 =	vor.u32 $0x800, v8;
	v10 =	vsel vm15, $0x1300, v11;
	v11 =	vsel vm15, $0x3300, v12  }
.LBB2_1:
0x17: {  	[dreg:$0x9] =	wrdreg s8  }
0x18: {  	s5 =	rddreg [dreg:$0x5]  }
0x19: {  	[tilespmem:s4], [sflag:$0x3] =	stream.strided.gather [hbm4b:s5+s6], $0x400, s10, s6, $0x38;
	[tilespmem:$0x18800] =	vst v63  }
0x1a: {  	_ =	swait.ge [sflag:s7], $0x400  }
0x1b: {  	[sflag:s7] =	ssyncset.done $0x0  }
0x1c: {  	s9 =	rddreg [dreg:$0x6];
	[sflag:s7] =	ssyncadd.s32 $0xFFFFFC00  }
0x1d: {  	[tilespmem:s10], [sflag:$0x3] =	stream.strided.gather [hbm4b:s9+s6], $0x200, s10, s6, $0x38;
	[tilespmem:$0x18800] =	vst v63  }
0x1e: {  	_ =	swait.ge [sflag:s7], $0x200  }
0x1f: {  	[sflag:s7] =	ssyncset.done $0x0  }
0x20: {  	[sflag:s7] =	ssyncadd.s32 $0xFFFFFE00  }
0x21: {  	v12 =	vld.idx.msk [tilespmem:v0+s4+$0x0], $0xffff;
	_ =	sdelay $0x4  }
0x22: {  	(v2sf) =	vpush v12, $0x0;
	_ =	sdelay $0x1  }
0x23: {  	(v2sf) =	vpush v12, $0x1;
	_ =	sdelay $0xc  }
0x24: {  	s15 =	spop (v2sf)  }
0x25: {  	s5 =	sand.u32 $0xFFFFF80, s15  }
0x26: {  	s6 =	spop (v2sf);
	s5 =	sadd.s32 s1, s5  }
0x27: {  	[tilespmem:s11], [sflag:$0x1] =	stream.strided.gather [hbm4b:s5+s10], $0x1000, s12, s10, $0x38;
	[tilespmem:$0x18800] =	vst v63  }
0x28: {  	s5 =	sand.u32 $0xFFFFF80, s6  }
0x29: {  	s5 =	sadd.s32 s2, s5  }
0x2a: {  	[tilespmem:s13], [sflag:$0x2] =	stream.strided.gather [hbm4b:s5+s10], $0x1000, s12, s10, $0x38;
	[tilespmem:$0x18800] =	vst v63  }
0x2b: {  	v57 =	vld.idx.msk [tilespmem:v1+s4+$0x0], $0xffff;
	_ =	sdelay $0x4  }
0x2c: {  	(v2sf) =	vpush v57, $0x0;
	_ =	sdelay $0x1  }
0x2d: {  	(v2sf) =	vpush v57, $0x1;
	_ =	sdelay $0xc  }
0x2e: {  	s7 =	spop (v2sf)  }
0x2f: {  	s5 =	sand.u32 $0xFFFFF80, s7  }
0x30: {  	s8 =	spop (v2sf);
	s5 =	sadd.s32 s1, s5  }
0x31: {  	[tilespmem:s14], [sflag:$0x1] =	stream.strided.gather [hbm4b:s5+s10], $0x1000, s12, s10, $0x38;
	[tilespmem:$0x18800] =	vst v63  }
0x32: {  	s5 =	sand.u32 $0xFFFFF80, s8  }
0x33: {  	s5 =	sadd.s32 s2, s5  }
0x34: {  	[tilespmem:s16], [sflag:$0x2] =	stream.strided.gather [hbm4b:s5+s10], $0x1000, s12, s10, $0x38;
	[tilespmem:$0x18800] =	vst v63  }
0x35: {  	v58 =	vld.idx.msk [tilespmem:v2+s4+$0x0], $0xffff;
	_ =	sdelay $0x4  }
0x36: {  	(v2sf) =	vpush v58, $0x0;
	_ =	sdelay $0x1  }
0x37: {  	(v2sf) =	vpush v58, $0x1;
	_ =	sdelay $0xc  }
0x38: {  	s9 =	spop (v2sf)  }
0x39: {  	s5 =	sand.u32 $0xFFFFF80, s9  }
0x3a: {  	s15 =	spop (v2sf);
	s5 =	sadd.s32 s1, s5  }
0x3b: {  	[tilespmem:s17], [sflag:$0x1] =	stream.strided.gather [hbm4b:s5+s10], $0x1000, s12, s10, $0x38;
	[tilespmem:$0x18800] =	vst v63  }
0x3c: {  	s5 =	sand.u32 $0xFFFFF80, s15  }
0x3d: {  	s5 =	sadd.s32 s2, s5  }
0x3e: {  	[tilespmem:s18], [sflag:$0x2] =	stream.strided.gather [hbm4b:s5+s10], $0x1000, s12, s10, $0x38;
	[tilespmem:$0x18800] =	vst v63  }
0x3f: {  	v59 =	vld.idx.msk [tilespmem:v3+s4+$0x0], $0xffff;
	_ =	sdelay $0x4  }
0x40: {  	(v2sf) =	vpush v59, $0x0;
	_ =	sdelay $0x1  }
0x41: {  	(v2sf) =	vpush v59, $0x1;
	_ =	sdelay $0xc  }
0x42: {  	s6 =	spop (v2sf)  }
0x43: {  	s5 =	sand.u32 $0xFFFFF80, s6  }
0x44: {  	s7 =	spop (v2sf);
	s5 =	sadd.s32 s1, s5  }
0x45: {  	[tilespmem:s19], [sflag:$0x1] =	stream.strided.gather [hbm4b:s5+s10], $0x1000, s12, s10, $0x38;
	[tilespmem:$0x18800] =	vst v63  }
0x46: {  	s5 =	sand.u32 $0xFFFFF80, s7  }
0x47: {  	s5 =	sadd.s32 s2, s5  }
0x48: {  	[tilespmem:s20], [sflag:$0x2] =	stream.strided.gather [hbm4b:s5+s10], $0x1000, s12, s10, $0x38;
	[tilespmem:$0x18800] =	vst v63  }
0x49: {  	v60 =	vld.idx.msk [tilespmem:v4+s4+$0x0], $0xffff;
	_ =	sdelay $0x4  }
0x4a: {  	(v2sf) =	vpush v60, $0x0;
	_ =	sdelay $0x1  }
0x4b: {  	(v2sf) =	vpush v60, $0x1;
	_ =	sdelay $0xc  }
0x4c: {  	s8 =	spop (v2sf)  }
0x4d: {  	s5 =	sand.u32 $0xFFFFF80, s8  }
0x4e: {  	s9 =	spop (v2sf);
	s5 =	sadd.s32 s1, s5  }
0x4f: {  	[tilespmem:s21], [sflag:$0x1] =	stream.strided.gather [hbm4b:s5+s10], $0x1000, s12, s10, $0x38;
	[tilespmem:$0x18800] =	vst v63  }
0x50: {  	s5 =	sand.u32 $0xFFFFF80, s9  }
0x51: {  	s5 =	sadd.s32 s2, s5  }
0x52: {  	[tilespmem:s22], [sflag:$0x2] =	stream.strided.gather [hbm4b:s5+s10], $0x1000, s12, s10, $0x38;
	[tilespmem:$0x18800] =	vst v63  }
0x53: {  	v61 =	vld.idx.msk [tilespmem:v5+s4+$0x0], $0xffff;
	_ =	sdelay $0x4  }
0x54: {  	(v2sf) =	vpush v61, $0x0;
	_ =	sdelay $0x1  }
0x55: {  	(v2sf) =	vpush v61, $0x1;
	_ =	sdelay $0xc  }
0x56: {  	s15 =	spop (v2sf)  }
0x57: {  	s5 =	sand.u32 $0xFFFFF80, s15  }
0x58: {  	s6 =	spop (v2sf);
	s5 =	sadd.s32 s1, s5  }
0x59: {  	[tilespmem:s23], [sflag:$0x1] =	stream.strided.gather [hbm4b:s5+s10], $0x1000, s12, s10, $0x38;
	[tilespmem:$0x18800] =	vst v63  }
0x5a: {  	s5 =	sand.u32 $0xFFFFF80, s6  }
0x5b: {  	s5 =	sadd.s32 s2, s5  }
0x5c: {  	[tilespmem:s24], [sflag:$0x2] =	stream.strided.gather [hbm4b:s5+s10], $0x1000, s12, s10, $0x38;
	[tilespmem:$0x18800] =	vst v63  }
0x5d: {  	v62 =	vld.idx.msk [tilespmem:v6+s4+$0x0], $0xffff;
	_ =	sdelay $0x4  }
0x5e: {  	(v2sf) =	vpush v62, $0x0;
	_ =	sdelay $0x1  }
0x5f: {  	(v2sf) =	vpush v62, $0x1;
	_ =	sdelay $0xc  }
0x60: {  	s7 =	spop (v2sf)  }
0x61: {  	s5 =	sand.u32 $0xFFFFF80, s7  }
0x62: {  	s8 =	spop (v2sf);
	s5 =	sadd.s32 s1, s5  }
0x63: {  	[tilespmem:s25], [sflag:$0x1] =	stream.strided.gather [hbm4b:s5+s10], $0x1000, s12, s10, $0x38;
	[tilespmem:$0x18800] =	vst v63  }
0x64: {  	s5 =	sand.u32 $0xFFFFF80, s8  }
0x65: {  	s5 =	sadd.s32 s2, s5  }
0x66: {  	[tilespmem:s26], [sflag:$0x2] =	stream.strided.gather [hbm4b:s5+s10], $0x1000, s12, s10, $0x38;
	[tilespmem:$0x18800] =	vst v63  }
0x67: {  	v63 =	vld.idx.msk [tilespmem:v7+s4+$0x0], $0xffff;
	_ =	sdelay $0x4  }
0x68: {  	(v2sf) =	vpush v63, $0x0;
	_ =	sdelay $0x1  }
0x69: {  	(v2sf) =	vpush v63, $0x1;
	_ =	sdelay $0xc  }
0x6a: {  	s9 =	spop (v2sf)  }
0x6b: {  	s5 =	sand.u32 $0xFFFFF80, s9  }
0x6c: {  	s15 =	spop (v2sf);
	s5 =	sadd.s32 s1, s5  }
0x6d: {  	[tilespmem:s28], [sflag:$0x1] =	stream.strided.gather [hbm4b:s5+s10], $0x1000, s12, s10, $0x38;
	[tilespmem:$0x18800] =	vst v63  }
0x6e: {  	s5 =	sand.u32 $0xFFFFF80, s15  }
0x6f: {  	s6 =	simm.s32 $0x0;
	s7 =	simm.s32 $0x0;
	s5 =	sadd.s32 s2, s5  }
0x70: {  	[tilespmem:s29], [sflag:$0x2] =	stream.strided.gather [hbm4b:s5+s10], $0x1000, s12, s10, $0x38;
	[tilespmem:$0x18800] =	vst v63  }
.LBB2_2:
0x71: {  	_ =	swait.ge [sflag:s30], $0x1000  }
0x72: {  	v12 =	vor.u32 s7, v0;
	[sflag:s30] =	ssyncset.done $0x0  }
0x73: {  	[sflag:s30] =	ssyncadd.s32 $0xFFFFF000  }
0x74: {  	_ =	swait.ge [sflag:s31], $0x1000  }
0x75: {  	[sflag:s31] =	ssyncset.done $0x0  }
0x76: {  	[sflag:s31] =	ssyncadd.s32 $0xFFFFF000  }
0x77: {  	v12 =	vld.idx.msk [tilespmem:v12+s4+$0x0], $0xffff;
	_ =	sdelay $0x4  }
0x78: {  	(v2sf) =	vpush v12, $0x0;
	_ =	sdelay $0x1  }
0x79: {  	(v2sf) =	vpush v12, $0x1;
	_ =	sdelay $0xc  }
0x7a: {  	s5 =	spop (v2sf)  }
0x7b: {  	s5 =	sand.u32 $0x7F, s5  }
0x7c: {  	s8 =	spop (v2sf);
	v51 =	vor.u32 s5, v8  }
0x7d: {  	v13 =	vmov s6;
	s8 =	sand.u32 $0x7F, s8;
	v14 =	vor.u32 s5, v9  }
0x7e: {  	v16 =	vshll.u32 v13, $0x3;
	v15 =	vor.u32 s8, v8  }
0x7f: {  	v13 =	vand.u32 $0x78, v13;
	v16 =	vand.u32 $0xC00, v16;
	v17 =	vor.u32 s8, v9  }
0x80: {  	v13 =	vor.u32 v13, v16  }
0x81: {  	v16 =	vor.u32 v10, v13;
	v12 =	vld.idx.msk [tilespmem:v51+s11+$0x0], $0xffff  }
0x82: {  	v13 =	vor.u32 v11, v13;
	s8 =	smin.u32 s6, $0x1F7;
	v14 =	vld.idx.msk [tilespmem:v14+s11+$0x0], $0xffff  }
0x83: {  	s5 =	sshll.u32 s8, $0x1;
	v15 =	vld.idx.msk [tilespmem:v15+s13+$0x0], $0xffff  }
0x84: {  	s5 =	sadd.s32 $0x10, s5;
	v17 =	vld.idx.msk [tilespmem:v17+s13+$0x0], $0xffff  }
0x85: {  	v18 =	vor.u32 s5, v0  }
0x86: {  	[tilespmem:v16+s0+$0x0] =	vst.idx.msk $0xffff, v12  }
0x87: {  	[tilespmem:v13+s0+$0x0] =	vst.idx.msk $0xffff, v14  }
0x88: {  	[tilespmem:v16+s3+$0x0] =	vst.idx.msk $0xffff, v15  }
0x89: {  	[tilespmem:v13+s3+$0x0] =	vst.idx.msk $0xffff, v17  }
0x8a: {  	v12 =	vld.idx.msk [tilespmem:v18+s4+$0x0], $0xffff;
	_ =	sdelay $0x4  }
0x8b: {  	(v2sf) =	vpush v12, $0x0;
	_ =	sdelay $0x1  }
0x8c: {  	(v2sf) =	vpush v12, $0x1;
	_ =	sdelay $0xc  }
0x8d: {  	s9 =	spop (v2sf)  }
0x8e: {  	s5 =	sand.u32 $0xFFFFF80, s9  }
0x8f: {  	s15 =	spop (v2sf);
	s5 =	sadd.s32 s1, s5  }
0x90: {  	[tilespmem:s11], [sflag:$0x1] =	stream.strided.gather [hbm4b:s5+s10], $0x1000, s12, s10, $0x38;
	[tilespmem:$0x18800] =	vst v63  }
0x91: {  	s5 =	sand.u32 $0xFFFFF80, s15  }
0x92: {  	s5 =	sadd.s32 s2, s5  }
0x93: {  	[tilespmem:s13], [sflag:$0x2] =	stream.strided.gather [hbm4b:s5+s10], $0x1000, s12, s10, $0x38;
	[tilespmem:$0x18800] =	vst v63  }
0x94: {  	s8 =	sadd.s32 $0x2, s7;
	_ =	swait.ge [sflag:s30], $0x1000  }
0x95: {  	v52 =	vor.u32 s8, v0;
	[sflag:s30] =	ssyncset.done $0x0  }
0x96: {  	[sflag:s30] =	ssyncadd.s32 $0xFFFFF000  }
0x97: {  	_ =	swait.ge [sflag:s31], $0x1000  }
0x98: {  	[sflag:s31] =	ssyncset.done $0x0  }
0x99: {  	[sflag:s31] =	ssyncadd.s32 $0xFFFFF000  }
0x9a: {  	v12 =	vld.idx.msk [tilespmem:v52+s4+$0x0], $0xffff;
	_ =	sdelay $0x4  }
0x9b: {  	(v2sf) =	vpush v12, $0x0;
	_ =	sdelay $0x1  }
0x9c: {  	(v2sf) =	vpush v12, $0x1;
	_ =	sdelay $0xc  }
0x9d: {  	s9 =	spop (v2sf)  }
0x9e: {  	s5 =	sand.u32 $0x7F, s9  }
0x9f: {  	s15 =	sadd.s32 $0x1, s6;
	s9 =	spop (v2sf);
	v53 =	vor.u32 s5, v8  }
0xa0: {  	v54 =	vmov s15;
	s9 =	sand.u32 $0x7F, s9;
	v55 =	vor.u32 s5, v9  }
0xa1: {  	v57 =	vshll.u32 v54, $0x3;
	v56 =	vor.u32 s9, v8  }
0xa2: {  	v13 =	vand.u32 $0x79, v54;
	v16 =	vand.u32 $0xC00, v57;
	v58 =	vor.u32 s9, v9  }
0xa3: {  	v13 =	vor.u32 v13, v16  }
0xa4: {  	v16 =	vor.u32 v10, v13;
	v12 =	vld.idx.msk [tilespmem:v53+s14+$0x0], $0xffff  }
0xa5: {  	s8 =	smin.u32 s6, $0x1F6;
	v13 =	vor.u32 v11, v13;
	v14 =	vld.idx.msk [tilespmem:v55+s14+$0x0], $0xffff  }
0xa6: {  	s5 =	sshll.u32 s8, $0x1;
	v15 =	vld.idx.msk [tilespmem:v56+s16+$0x0], $0xffff  }
0xa7: {  	s5 =	sadd.s32 $0x12, s5;
	v17 =	vld.idx.msk [tilespmem:v58+s16+$0x0], $0xffff  }
0xa8: {  	v59 =	vor.u32 s5, v0  }
0xa9: {  	[tilespmem:v16+s0+$0x0] =	vst.idx.msk $0xffff, v12  }
0xaa: {  	[tilespmem:v13+s0+$0x0] =	vst.idx.msk $0xffff, v14  }
0xab: {  	[tilespmem:v16+s3+$0x0] =	vst.idx.msk $0xffff, v15  }
0xac: {  	[tilespmem:v13+s3+$0x0] =	vst.idx.msk $0xffff, v17  }
0xad: {  	v12 =	vld.idx.msk [tilespmem:v59+s4+$0x0], $0xffff;
	_ =	sdelay $0x4  }
0xae: {  	(v2sf) =	vpush v12, $0x0;
	_ =	sdelay $0x1  }
0xaf: {  	(v2sf) =	vpush v12, $0x1;
	_ =	sdelay $0xc  }
0xb0: {  	s9 =	spop (v2sf)  }
0xb1: {  	s5 =	sand.u32 $0xFFFFF80, s9  }
0xb2: {  	s15 =	spop (v2sf);
	s5 =	sadd.s32 s1, s5  }
0xb3: {  	[tilespmem:s14], [sflag:$0x1] =	stream.strided.gather [hbm4b:s5+s10], $0x1000, s12, s10, $0x38;
	[tilespmem:$0x18800] =	vst v63  }
0xb4: {  	s5 =	sand.u32 $0xFFFFF80, s15  }
0xb5: {  	s5 =	sadd.s32 s2, s5  }
0xb6: {  	[tilespmem:s16], [sflag:$0x2] =	stream.strided.gather [hbm4b:s5+s10], $0x1000, s12, s10, $0x38;
	[tilespmem:$0x18800] =	vst v63  }
0xb7: {  	s8 =	sadd.s32 $0x4, s7;
	_ =	swait.ge [sflag:s30], $0x1000  }
0xb8: {  	v60 =	vor.u32 s8, v0;
	[sflag:s30] =	ssyncset.done $0x0  }
0xb9: {  	[sflag:s30] =	ssyncadd.s32 $0xFFFFF000  }
0xba: {  	_ =	swait.ge [sflag:s31], $0x1000  }
0xbb: {  	[sflag:s31] =	ssyncset.done $0x0  }
0xbc: {  	[sflag:s31] =	ssyncadd.s32 $0xFFFFF000  }
0xbd: {  	v12 =	vld.idx.msk [tilespmem:v60+s4+$0x0], $0xffff;
	_ =	sdelay $0x4  }
0xbe: {  	(v2sf) =	vpush v12, $0x0;
	_ =	sdelay $0x1  }
0xbf: {  	(v2sf) =	vpush v12, $0x1;
	_ =	sdelay $0xc  }
0xc0: {  	s9 =	spop (v2sf)  }
0xc1: {  	s5 =	sand.u32 $0x7F, s9  }
0xc2: {  	s8 =	sadd.s32 $0x2, s6;
	s15 =	spop (v2sf);
	v61 =	vor.u32 s5, v8  }
0xc3: {  	v62 =	vmov s8;
	s9 =	sand.u32 $0x7F, s15;
	v63 =	vor.u32 s5, v9  }
0xc4: {  	v21 =	vshll.u32 v62, $0x3;
	v20 =	vor.u32 s9, v8  }
0xc5: {  	v16 =	vand.u32 $0xC00, v21;
	v13 =	vand.u32 $0x7A, v62;
	v22 =	vor.u32 s9, v9  }
0xc6: {  	v13 =	vor.u32 v13, v16  }
0xc7: {  	v16 =	vor.u32 v10, v13;
	v12 =	vld.idx.msk [tilespmem:v61+s17+$0x0], $0xffff  }
0xc8: {  	s8 =	smin.u32 s6, $0x1F5;
	v13 =	vor.u32 v11, v13;
	v14 =	vld.idx.msk [tilespmem:v63+s17+$0x0], $0xffff  }
0xc9: {  	s5 =	sshll.u32 s8, $0x1;
	v15 =	vld.idx.msk [tilespmem:v20+s18+$0x0], $0xffff  }
0xca: {  	s5 =	sadd.s32 $0x14, s5;
	v17 =	vld.idx.msk [tilespmem:v22+s18+$0x0], $0xffff  }
0xcb: {  	v23 =	vor.u32 s5, v0  }
0xcc: {  	[tilespmem:v16+s0+$0x0] =	vst.idx.msk $0xffff, v12  }
0xcd: {  	[tilespmem:v13+s0+$0x0] =	vst.idx.msk $0xffff, v14  }
0xce: {  	[tilespmem:v16+s3+$0x0] =	vst.idx.msk $0xffff, v15  }
0xcf: {  	[tilespmem:v13+s3+$0x0] =	vst.idx.msk $0xffff, v17  }
0xd0: {  	v12 =	vld.idx.msk [tilespmem:v23+s4+$0x0], $0xffff;
	_ =	sdelay $0x4  }
0xd1: {  	(v2sf) =	vpush v12, $0x0;
	_ =	sdelay $0x1  }
0xd2: {  	(v2sf) =	vpush v12, $0x1;
	_ =	sdelay $0xc  }
0xd3: {  	s9 =	spop (v2sf)  }
0xd4: {  	s5 =	sand.u32 $0xFFFFF80, s9  }
0xd5: {  	s15 =	spop (v2sf);
	s5 =	sadd.s32 s1, s5  }
0xd6: {  	[tilespmem:s17], [sflag:$0x1] =	stream.strided.gather [hbm4b:s5+s10], $0x1000, s12, s10, $0x38;
	[tilespmem:$0x18800] =	vst v63  }
0xd7: {  	s5 =	sand.u32 $0xFFFFF80, s15  }
0xd8: {  	s5 =	sadd.s32 s2, s5  }
0xd9: {  	[tilespmem:s18], [sflag:$0x2] =	stream.strided.gather [hbm4b:s5+s10], $0x1000, s12, s10, $0x38;
	[tilespmem:$0x18800] =	vst v63  }
0xda: {  	s8 =	sadd.s32 $0x6, s7;
	_ =	swait.ge [sflag:s30], $0x1000  }
0xdb: {  	v24 =	vor.u32 s8, v0;
	[sflag:s30] =	ssyncset.done $0x0  }
0xdc: {  	[sflag:s30] =	ssyncadd.s32 $0xFFFFF000  }
0xdd: {  	_ =	swait.ge [sflag:s31], $0x1000  }
0xde: {  	[sflag:s31] =	ssyncset.done $0x0  }
0xdf: {  	[sflag:s31] =	ssyncadd.s32 $0xFFFFF000  }
0xe0: {  	v12 =	vld.idx.msk [tilespmem:v24+s4+$0x0], $0xffff;
	_ =	sdelay $0x4  }
0xe1: {  	(v2sf) =	vpush v12, $0x0;
	_ =	sdelay $0x1  }
0xe2: {  	(v2sf) =	vpush v12, $0x1;
	_ =	sdelay $0xc  }
0xe3: {  	s9 =	spop (v2sf)  }
0xe4: {  	s5 =	sand.u32 $0x7F, s9  }
0xe5: {  	s8 =	sadd.s32 $0x3, s6;
	s15 =	spop (v2sf);
	v25 =	vor.u32 s5, v8  }
0xe6: {  	v26 =	vmov s8;
	s9 =	sand.u32 $0x7F, s15;
	v27 =	vor.u32 s5, v9  }
0xe7: {  	v29 =	vshll.u32 v26, $0x3;
	v28 =	vor.u32 s9, v8  }
0xe8: {  	v16 =	vand.u32 $0xC00, v29;
	v13 =	vand.u32 $0x7B, v26;
	v30 =	vor.u32 s9, v9  }
0xe9: {  	v13 =	vor.u32 v13, v16  }
0xea: {  	v16 =	vor.u32 v10, v13;
	v12 =	vld.idx.msk [tilespmem:v25+s19+$0x0], $0xffff  }
0xeb: {  	s8 =	smin.u32 s6, $0x1F4;
	v13 =	vor.u32 v11, v13;
	v14 =	vld.idx.msk [tilespmem:v27+s19+$0x0], $0xffff  }
0xec: {  	s5 =	sshll.u32 s8, $0x1;
	v15 =	vld.idx.msk [tilespmem:v28+s20+$0x0], $0xffff  }
0xed: {  	s5 =	sadd.s32 $0x16, s5;
	v17 =	vld.idx.msk [tilespmem:v30+s20+$0x0], $0xffff  }
0xee: {  	v31 =	vor.u32 s5, v0  }
0xef: {  	[tilespmem:v16+s0+$0x0] =	vst.idx.msk $0xffff, v12  }
0xf0: {  	[tilespmem:v13+s0+$0x0] =	vst.idx.msk $0xffff, v14  }
0xf1: {  	[tilespmem:v16+s3+$0x0] =	vst.idx.msk $0xffff, v15  }
0xf2: {  	[tilespmem:v13+s3+$0x0] =	vst.idx.msk $0xffff, v17  }
0xf3: {  	v12 =	vld.idx.msk [tilespmem:v31+s4+$0x0], $0xffff;
	_ =	sdelay $0x4  }
0xf4: {  	(v2sf) =	vpush v12, $0x0;
	_ =	sdelay $0x1  }
0xf5: {  	(v2sf) =	vpush v12, $0x1;
	_ =	sdelay $0xc  }
0xf6: {  	s9 =	spop (v2sf)  }
0xf7: {  	s5 =	sand.u32 $0xFFFFF80, s9  }
0xf8: {  	s15 =	spop (v2sf);
	s5 =	sadd.s32 s1, s5  }
0xf9: {  	[tilespmem:s19], [sflag:$0x1] =	stream.strided.gather [hbm4b:s5+s10], $0x1000, s12, s10, $0x38;
	[tilespmem:$0x18800] =	vst v63  }
0xfa: {  	s5 =	sand.u32 $0xFFFFF80, s15  }
0xfb: {  	s5 =	sadd.s32 s2, s5  }
0xfc: {  	[tilespmem:s20], [sflag:$0x2] =	stream.strided.gather [hbm4b:s5+s10], $0x1000, s12, s10, $0x38;
	[tilespmem:$0x18800] =	vst v63  }
0xfd: {  	s8 =	sadd.s32 $0x8, s7;
	_ =	swait.ge [sflag:s30], $0x1000  }
0xfe: {  	v32 =	vor.u32 s8, v0;
	[sflag:s30] =	ssyncset.done $0x0  }
0xff: {  	[sflag:s30] =	ssyncadd.s32 $0xFFFFF000  }
0x100: {  	_ =	swait.ge [sflag:s31], $0x1000  }
0x101: {  	[sflag:s31] =	ssyncset.done $0x0  }
0x102: {  	[sflag:s31] =	ssyncadd.s32 $0xFFFFF000  }
0x103: {  	v12 =	vld.idx.msk [tilespmem:v32+s4+$0x0], $0xffff;
	_ =	sdelay $0x4  }
0x104: {  	(v2sf) =	vpush v12, $0x0;
	_ =	sdelay $0x1  }
0x105: {  	(v2sf) =	vpush v12, $0x1;
	_ =	sdelay $0xc  }
0x106: {  	s9 =	spop (v2sf)  }
0x107: {  	s5 =	sand.u32 $0x7F, s9  }
0x108: {  	s8 =	sadd.s32 $0x4, s6;
	s15 =	spop (v2sf);
	v33 =	vor.u32 s5, v8  }
0x109: {  	v34 =	vmov s8;
	s9 =	sand.u32 $0x7F, s15;
	v35 =	vor.u32 s5, v9  }
0x10a: {  	v37 =	vshll.u32 v34, $0x3;
	v36 =	vor.u32 s9, v8  }
0x10b: {  	v16 =	vand.u32 $0xC00, v37;
	v13 =	vand.u32 $0x7C, v34;
	v38 =	vor.u32 s9, v9  }
0x10c: {  	v13 =	vor.u32 v13, v16  }
0x10d: {  	v16 =	vor.u32 v10, v13;
	v12 =	vld.idx.msk [tilespmem:v33+s21+$0x0], $0xffff  }
0x10e: {  	s8 =	smin.u32 s6, $0x1F3;
	v13 =	vor.u32 v11, v13;
	v14 =	vld.idx.msk [tilespmem:v35+s21+$0x0], $0xffff  }
0x10f: {  	s5 =	sshll.u32 s8, $0x1;
	v15 =	vld.idx.msk [tilespmem:v36+s22+$0x0], $0xffff  }
0x110: {  	s5 =	sadd.s32 $0x18, s5;
	v17 =	vld.idx.msk [tilespmem:v38+s22+$0x0], $0xffff  }
0x111: {  	v39 =	vor.u32 s5, v0  }
0x112: {  	[tilespmem:v16+s0+$0x0] =	vst.idx.msk $0xffff, v12  }
0x113: {  	[tilespmem:v13+s0+$0x0] =	vst.idx.msk $0xffff, v14  }
0x114: {  	[tilespmem:v16+s3+$0x0] =	vst.idx.msk $0xffff, v15  }
0x115: {  	[tilespmem:v13+s3+$0x0] =	vst.idx.msk $0xffff, v17  }
0x116: {  	v12 =	vld.idx.msk [tilespmem:v39+s4+$0x0], $0xffff;
	_ =	sdelay $0x4  }
0x117: {  	(v2sf) =	vpush v12, $0x0;
	_ =	sdelay $0x1  }
0x118: {  	(v2sf) =	vpush v12, $0x1;
	_ =	sdelay $0xc  }
0x119: {  	s9 =	spop (v2sf)  }
0x11a: {  	s5 =	sand.u32 $0xFFFFF80, s9  }
0x11b: {  	s15 =	spop (v2sf);
	s5 =	sadd.s32 s1, s5  }
0x11c: {  	[tilespmem:s21], [sflag:$0x1] =	stream.strided.gather [hbm4b:s5+s10], $0x1000, s12, s10, $0x38;
	[tilespmem:$0x18800] =	vst v63  }
0x11d: {  	s5 =	sand.u32 $0xFFFFF80, s15  }
0x11e: {  	s5 =	sadd.s32 s2, s5  }
0x11f: {  	[tilespmem:s22], [sflag:$0x2] =	stream.strided.gather [hbm4b:s5+s10], $0x1000, s12, s10, $0x38;
	[tilespmem:$0x18800] =	vst v63  }
0x120: {  	s8 =	sadd.s32 $0xA, s7;
	_ =	swait.ge [sflag:s30], $0x1000  }
0x121: {  	v40 =	vor.u32 s8, v0;
	[sflag:s30] =	ssyncset.done $0x0  }
0x122: {  	[sflag:s30] =	ssyncadd.s32 $0xFFFFF000  }
0x123: {  	_ =	swait.ge [sflag:s31], $0x1000  }
0x124: {  	[sflag:s31] =	ssyncset.done $0x0  }
0x125: {  	[sflag:s31] =	ssyncadd.s32 $0xFFFFF000  }
0x126: {  	v12 =	vld.idx.msk [tilespmem:v40+s4+$0x0], $0xffff;
	_ =	sdelay $0x4  }
0x127: {  	(v2sf) =	vpush v12, $0x0;
	_ =	sdelay $0x1  }
0x128: {  	(v2sf) =	vpush v12, $0x1;
	_ =	sdelay $0xc  }
0x129: {  	s9 =	spop (v2sf)  }
0x12a: {  	s5 =	sand.u32 $0x7F, s9  }
0x12b: {  	s8 =	sadd.s32 $0x5, s6;
	s15 =	spop (v2sf);
	v41 =	vor.u32 s5, v8  }
0x12c: {  	v42 =	vmov s8;
	s9 =	sand.u32 $0x7F, s15;
	v43 =	vor.u32 s5, v9  }
0x12d: {  	v45 =	vshll.u32 v42, $0x3;
	v44 =	vor.u32 s9, v8  }
0x12e: {  	v16 =	vand.u32 $0xC00, v45;
	v13 =	vand.u32 $0x7D, v42;
	v46 =	vor.u32 s9, v9  }
0x12f: {  	v13 =	vor.u32 v13, v16  }
0x130: {  	v16 =	vor.u32 v10, v13;
	v12 =	vld.idx.msk [tilespmem:v41+s23+$0x0], $0xffff  }
0x131: {  	s8 =	smin.u32 s6, $0x1F2;
	v13 =	vor.u32 v11, v13;
	v14 =	vld.idx.msk [tilespmem:v43+s23+$0x0], $0xffff  }
0x132: {  	s5 =	sshll.u32 s8, $0x1;
	v15 =	vld.idx.msk [tilespmem:v44+s24+$0x0], $0xffff  }
0x133: {  	s5 =	sadd.s32 $0x1A, s5;
	v17 =	vld.idx.msk [tilespmem:v46+s24+$0x0], $0xffff  }
0x134: {  	v47 =	vor.u32 s5, v0  }
0x135: {  	[tilespmem:v16+s0+$0x0] =	vst.idx.msk $0xffff, v12  }
0x136: {  	[tilespmem:v13+s0+$0x0] =	vst.idx.msk $0xffff, v14  }
0x137: {  	[tilespmem:v16+s3+$0x0] =	vst.idx.msk $0xffff, v15  }
0x138: {  	[tilespmem:v13+s3+$0x0] =	vst.idx.msk $0xffff, v17  }
0x139: {  	v12 =	vld.idx.msk [tilespmem:v47+s4+$0x0], $0xffff;
	_ =	sdelay $0x4  }
0x13a: {  	(v2sf) =	vpush v12, $0x0;
	_ =	sdelay $0x1  }
0x13b: {  	(v2sf) =	vpush v12, $0x1;
	_ =	sdelay $0xc  }
0x13c: {  	s9 =	spop (v2sf)  }
0x13d: {  	s5 =	sand.u32 $0xFFFFF80, s9  }
0x13e: {  	s15 =	spop (v2sf);
	s5 =	sadd.s32 s1, s5  }
0x13f: {  	[tilespmem:s23], [sflag:$0x1] =	stream.strided.gather [hbm4b:s5+s10], $0x1000, s12, s10, $0x38;
	[tilespmem:$0x18800] =	vst v63  }
0x140: {  	s5 =	sand.u32 $0xFFFFF80, s15  }
0x141: {  	s5 =	sadd.s32 s2, s5  }
0x142: {  	[tilespmem:s24], [sflag:$0x2] =	stream.strided.gather [hbm4b:s5+s10], $0x1000, s12, s10, $0x38;
	[tilespmem:$0x18800] =	vst v63  }
0x143: {  	s8 =	sadd.s32 $0xC, s7;
	_ =	swait.ge [sflag:s30], $0x1000  }
0x144: {  	v48 =	vor.u32 s8, v0;
	[sflag:s30] =	ssyncset.done $0x0  }
0x145: {  	[sflag:s30] =	ssyncadd.s32 $0xFFFFF000  }
0x146: {  	_ =	swait.ge [sflag:s31], $0x1000  }
0x147: {  	[sflag:s31] =	ssyncset.done $0x0  }
0x148: {  	[sflag:s31] =	ssyncadd.s32 $0xFFFFF000  }
0x149: {  	v12 =	vld.idx.msk [tilespmem:v48+s4+$0x0], $0xffff;
	_ =	sdelay $0x4  }
0x14a: {  	(v2sf) =	vpush v12, $0x0;
	_ =	sdelay $0x1  }
0x14b: {  	(v2sf) =	vpush v12, $0x1;
	_ =	sdelay $0xc  }
0x14c: {  	s9 =	spop (v2sf)  }
0x14d: {  	s5 =	sand.u32 $0x7F, s9  }
0x14e: {  	s8 =	sadd.s32 $0x6, s6;
	s15 =	spop (v2sf);
	v49 =	vor.u32 s5, v8  }
0x14f: {  	v50 =	vmov s8;
	s9 =	sand.u32 $0x7F, s15;
	v51 =	vor.u32 s5, v9  }
0x150: {  	v53 =	vshll.u32 v50, $0x3;
	v52 =	vor.u32 s9, v8  }
0x151: {  	v16 =	vand.u32 $0xC00, v53;
	v13 =	vand.u32 $0x7E, v50;
	v54 =	vor.u32 s9, v9  }
0x152: {  	v13 =	vor.u32 v13, v16  }
0x153: {  	v16 =	vor.u32 v10, v13;
	v12 =	vld.idx.msk [tilespmem:v49+s25+$0x0], $0xffff  }
0x154: {  	v13 =	vor.u32 v11, v13;
	s15 =	smin.u32 s6, $0x1F1;
	v14 =	vld.idx.msk [tilespmem:v51+s25+$0x0], $0xffff  }
0x155: {  	s5 =	sshll.u32 s15, $0x1;
	v15 =	vld.idx.msk [tilespmem:v52+s26+$0x0], $0xffff  }
0x156: {  	s5 =	sadd.s32 $0x1C, s5;
	v17 =	vld.idx.msk [tilespmem:v54+s26+$0x0], $0xffff  }
0x157: {  	v55 =	vor.u32 s5, v0  }
0x158: {  	[tilespmem:v16+s0+$0x0] =	vst.idx.msk $0xffff, v12  }
0x159: {  	[tilespmem:v13+s0+$0x0] =	vst.idx.msk $0xffff, v14  }
0x15a: {  	[tilespmem:v16+s3+$0x0] =	vst.idx.msk $0xffff, v15  }
0x15b: {  	[tilespmem:v13+s3+$0x0] =	vst.idx.msk $0xffff, v17  }
0x15c: {  	v12 =	vld.idx.msk [tilespmem:v55+s4+$0x0], $0xffff;
	_ =	sdelay $0x4  }
0x15d: {  	(v2sf) =	vpush v12, $0x0;
	_ =	sdelay $0x1  }
0x15e: {  	(v2sf) =	vpush v12, $0x1;
	_ =	sdelay $0xc  }
0x15f: {  	s8 =	spop (v2sf)  }
0x160: {  	s5 =	sand.u32 $0xFFFFF80, s8  }
0x161: {  	s9 =	spop (v2sf);
	s5 =	sadd.s32 s1, s5  }
0x162: {  	[tilespmem:s25], [sflag:$0x1] =	stream.strided.gather [hbm4b:s5+s10], $0x1000, s12, s10, $0x38;
	[tilespmem:$0x18800] =	vst v63  }
0x163: {  	s5 =	sand.u32 $0xFFFFF80, s9  }
0x164: {  	s5 =	sadd.s32 s2, s5  }
0x165: {  	[tilespmem:s26], [sflag:$0x2] =	stream.strided.gather [hbm4b:s5+s10], $0x1000, s12, s10, $0x38;
	[tilespmem:$0x18800] =	vst v63  }
0x166: {  	s15 =	sadd.s32 $0xE, s7;
	_ =	swait.ge [sflag:s30], $0x1000  }
0x167: {  	v56 =	vor.u32 s15, v0;
	[sflag:s30] =	ssyncset.done $0x0  }
0x168: {  	[sflag:s30] =	ssyncadd.s32 $0xFFFFF000  }
0x169: {  	_ =	swait.ge [sflag:s31], $0x1000  }
0x16a: {  	[sflag:s31] =	ssyncset.done $0x0  }
0x16b: {  	[sflag:s31] =	ssyncadd.s32 $0xFFFFF000  }
0x16c: {  	v12 =	vld.idx.msk [tilespmem:v56+s4+$0x0], $0xffff;
	_ =	sdelay $0x4  }
0x16d: {  	(v2sf) =	vpush v12, $0x0;
	_ =	sdelay $0x1  }
0x16e: {  	(v2sf) =	vpush v12, $0x1;
	_ =	sdelay $0xc  }
0x16f: {  	s8 =	spop (v2sf)  }
0x170: {  	s5 =	sand.u32 $0x7F, s8  }
0x171: {  	s9 =	sadd.s32 $0x7, s6;
	s15 =	spop (v2sf);
	v57 =	vor.u32 s5, v8  }
0x172: {  	v58 =	vmov s9;
	v59 =	vor.u32 s5, v9;
	s15 =	sand.u32 $0x7F, s15  }
0x173: {  	v61 =	vshll.u32 v58, $0x3;
	v60 =	vor.u32 s15, v8  }
0x174: {  	v13 =	vand.u32 $0x7F, v58;
	v16 =	vand.u32 $0xC00, v61;
	v62 =	vor.u32 s15, v9  }
0x175: {  	v13 =	vor.u32 v13, v16  }
0x176: {  	v16 =	vor.u32 v10, v13;
	v12 =	vld.idx.msk [tilespmem:v57+s28+$0x0], $0xffff  }
0x177: {  	v13 =	vor.u32 v11, v13;
	s8 =	smin.u32 s6, $0x1F0;
	v14 =	vld.idx.msk [tilespmem:v59+s28+$0x0], $0xffff  }
0x178: {  	s5 =	sshll.u32 s8, $0x1;
	v15 =	vld.idx.msk [tilespmem:v60+s29+$0x0], $0xffff  }
0x179: {  	s5 =	sadd.s32 $0x1E, s5;
	v17 =	vld.idx.msk [tilespmem:v62+s29+$0x0], $0xffff  }
0x17a: {  	v63 =	vor.u32 s5, v0  }
0x17b: {  	[tilespmem:v16+s0+$0x0] =	vst.idx.msk $0xffff, v12  }
0x17c: {  	[tilespmem:v13+s0+$0x0] =	vst.idx.msk $0xffff, v14  }
0x17d: {  	[tilespmem:v16+s3+$0x0] =	vst.idx.msk $0xffff, v15  }
0x17e: {  	[tilespmem:v13+s3+$0x0] =	vst.idx.msk $0xffff, v17  }
0x17f: {  	v12 =	vld.idx.msk [tilespmem:v63+s4+$0x0], $0xffff;
	_ =	sdelay $0x4  }
0x180: {  	(v2sf) =	vpush v12, $0x0;
	_ =	sdelay $0x1  }
0x181: {  	(v2sf) =	vpush v12, $0x1;
	_ =	sdelay $0xc  }
0x182: {  	s9 =	spop (v2sf)  }
0x183: {  	p0 =	sne.s32 s7, $0x3F0;
	s5 =	sand.u32 $0xFFFFF80, s9  }
.Ltmp0:
0x184: {  	s15 =	spop (v2sf);
	s5 =	sadd.s32 s1, s5;
	(pc) =	sbr.rel @p0 .LBB2_2-.Ltmp0, $4  }
0x185: {  	[tilespmem:s28], [sflag:$0x1] =	stream.strided.gather [hbm4b:s5+s10], $0x1000, s12, s10, $0x38;
	[tilespmem:$0x18800] =	vst v63  }
0x186: {  	s5 =	sand.u32 $0xFFFFF80, s15  }
0x187: {  	s7 =	sadd.s32 $0x10, s7;
	s6 =	sadd.s32 $0x8, s6;
	s5 =	sadd.s32 s2, s5  }
0x188: {  	[tilespmem:s29], [sflag:$0x2] =	stream.strided.gather [hbm4b:s5+s10], $0x1000, s12, s10, $0x38;
	[tilespmem:$0x18800] =	vst v63  }
0x189: {  	_ =	swait.ge [sflag:s30], $0x1000  }
0x18a: {  	[sflag:s30] =	ssyncset.done $0x0  }
0x18b: {  	[sflag:s30] =	ssyncadd.s32 $0xFFFFF000  }
0x18c: {  	_ =	swait.ge [sflag:s31], $0x1000  }
0x18d: {  	[sflag:s31] =	ssyncset.done $0x0  }
0x18e: {  	[sflag:s31] =	ssyncadd.s32 $0xFFFFF000  }
0x18f: {  	_ =	swait.ge [sflag:s30], $0x1000  }
0x190: {  	[sflag:s30] =	ssyncset.done $0x0  }
0x191: {  	[sflag:s30] =	ssyncadd.s32 $0xFFFFF000  }
0x192: {  	_ =	swait.ge [sflag:s31], $0x1000  }
0x193: {  	[sflag:s31] =	ssyncset.done $0x0  }
0x194: {  	[sflag:s31] =	ssyncadd.s32 $0xFFFFF000  }
0x195: {  	_ =	swait.ge [sflag:s30], $0x1000  }
0x196: {  	[sflag:s30] =	ssyncset.done $0x0  }
0x197: {  	[sflag:s30] =	ssyncadd.s32 $0xFFFFF000  }
0x198: {  	_ =	swait.ge [sflag:s31], $0x1000  }
0x199: {  	[sflag:s31] =	ssyncset.done $0x0  }
0x19a: {  	[sflag:s31] =	ssyncadd.s32 $0xFFFFF000  }
0x19b: {  	_ =	swait.ge [sflag:s30], $0x1000  }
0x19c: {  	[sflag:s30] =	ssyncset.done $0x0  }
0x19d: {  	[sflag:s30] =	ssyncadd.s32 $0xFFFFF000  }
0x19e: {  	_ =	swait.ge [sflag:s31], $0x1000  }
0x19f: {  	[sflag:s31] =	ssyncset.done $0x0  }
0x1a0: {  	[sflag:s31] =	ssyncadd.s32 $0xFFFFF000  }
0x1a1: {  	_ =	swait.ge [sflag:s30], $0x1000  }
0x1a2: {  	[sflag:s30] =	ssyncset.done $0x0  }
0x1a3: {  	[sflag:s30] =	ssyncadd.s32 $0xFFFFF000  }
0x1a4: {  	_ =	swait.ge [sflag:s31], $0x1000  }
0x1a5: {  	[sflag:s31] =	ssyncset.done $0x0  }
0x1a6: {  	[sflag:s31] =	ssyncadd.s32 $0xFFFFF000  }
0x1a7: {  	_ =	swait.ge [sflag:s30], $0x1000  }
0x1a8: {  	[sflag:s30] =	ssyncset.done $0x0  }
0x1a9: {  	[sflag:s30] =	ssyncadd.s32 $0xFFFFF000  }
0x1aa: {  	_ =	swait.ge [sflag:s31], $0x1000  }
0x1ab: {  	[sflag:s31] =	ssyncset.done $0x0  }
0x1ac: {  	[sflag:s31] =	ssyncadd.s32 $0xFFFFF000  }
0x1ad: {  	_ =	swait.ge [sflag:s30], $0x1000  }
0x1ae: {  	[sflag:s30] =	ssyncset.done $0x0  }
0x1af: {  	[sflag:s30] =	ssyncadd.s32 $0xFFFFF000  }
0x1b0: {  	_ =	swait.ge [sflag:s31], $0x1000  }
0x1b1: {  	[sflag:s31] =	ssyncset.done $0x0  }
0x1b2: {  	[sflag:s31] =	ssyncadd.s32 $0xFFFFF000  }
0x1b3: {  	_ =	swait.ge [sflag:s30], $0x1000  }
0x1b4: {  	[sflag:s30] =	ssyncset.done $0x0  }
0x1b5: {  	[sflag:s30] =	ssyncadd.s32 $0xFFFFF000  }
0x1b6: {  	s6 =	simm.s32 $0x0;
	_ =	swait.ge [sflag:s31], $0x1000  }
0x1b7: {  	s5 =	sand.u32 $0x70, s6;
	s7 =	sand.u32 $0xC00, s6;
	[sflag:s31] =	ssyncset.done $0x0  }
0x1b8: {  	s5 =	sor.u32 s5, s7;
	[sflag:s31] =	ssyncadd.s32 $0xFFFFF000  }
0x1b9: {  	v12 =	vld [tilespmem:s5+$0x3900]  }
0x1ba: {  	v13 =	vld [tilespmem:s5+$0x7900]  }
0x1bb: {  	v14 =	vld [tilespmem:s5+$0x3800]  }
0x1bc: {  	v15 =	vld [tilespmem:s5+$0x7800]  }
0x1bd: {  	v16 =	vld [tilespmem:s5+$0x3700]  }
0x1be: {  	v17 =	vld [tilespmem:s5+$0x7700]  }
0x1bf: {  	v18 =	vld [tilespmem:s5+$0x3600]  }
0x1c0: {  	v19 =	vld [tilespmem:s5+$0x7600]  }
0x1c1: {  	v20 =	vld [tilespmem:s5+$0x2900]  }
0x1c2: {  	v21 =	vld [tilespmem:s5+$0x6900]  }
0x1c3: {  	v22 =	vld [tilespmem:s5+$0x2800]  }
0x1c4: {  	v23 =	vld [tilespmem:s5+$0x6800]  }
0x1c5: {  	v24 =	vld [tilespmem:s5+$0x2700]  }
0x1c6: {  	v25 =	vld [tilespmem:s5+$0x6700]  }
0x1c7: {  	v26 =	vld [tilespmem:s5+$0x2600]  }
0x1c8: {  	v27 =	vld [tilespmem:s5+$0x6600]  }
0x1c9: {  	v28 =	vld [tilespmem:s5+$0x1900]  }
0x1ca: {  	v30 =	vld [tilespmem:s5+$0x1800]  }
0x1cb: {  	v31 =	vld [tilespmem:s5+$0x5800]  }
0x1cc: {  	v32 =	vld [tilespmem:s5+$0x1700]  }
0x1cd: {  	v33 =	vld [tilespmem:s5+$0x5700]  }
0x1ce: {  	v34 =	vld [tilespmem:s5+$0x1600]  }
0x1cf: {  	v35 =	vld [tilespmem:s5+$0x5600]  }
0x1d0: {  	v36 =	vld [tilespmem:s5+$0x900]  }
0x1d1: {  	v37 =	vld [tilespmem:s5+$0x4900]  }
0x1d2: {  	v38 =	vld [tilespmem:s5+$0x800]  }
0x1d3: {  	v39 =	vld [tilespmem:s5+$0x4800]  }
0x1d4: {  	v40 =	vld [tilespmem:s5+$0x700]  }
0x1d5: {  	v41 =	vld [tilespmem:s5+$0x4700]  }
0x1d6: {  	v42 =	vld [tilespmem:s5+$0x4600]  }
0x1d7: {  	s13 =	sand.u32 $0xFFFFFC00, s6;
	v43 =	vld [tilespmem:s5+$0x600]  }
0x1d8: {  	s7 =	sadd.s32 $0x0, s13;
	v44 =	vld [tilespmem:s5+$0x680]  }
0x1d9: {  	s8 =	sor.u32 $0x180, s7;
	v45 =	vld [tilespmem:s5+$0x4680]  }
0x1da: {  	v46 =	vld [tilespmem:s8+$0x600]  }
0x1db: {  	v47 =	vld [tilespmem:s8+$0x4600]  }
0x1dc: {  	s6 =	sor.u32 s6, s6;
	v48 =	vld [tilespmem:s5+$0x880]  }
0x1dd: {  	s14 =	sor.u32 $0x380, s6;
	v49 =	vld [tilespmem:s5+$0x4880]  }
0x1de: {  	v58 =	vld [tilespmem:s14+$0x600]  }
0x1df: {  	v59 =	vld [tilespmem:s14+$0x4600];
	v42 =	vmul.f32 v42, v43;
	v57 =	vmul.f32 v45, v44  }
0x1e0: {  	v61 =	vld [tilespmem:s5+$0x1680];
	v40 =	vmul.f32 v41, v40  }
0x1e1: {  	s15 =	sor.u32 $0x1180, s7;
	v62 =	vld [tilespmem:s5+$0x5680];
	v60 =	vmul.f32 v47, v46;
	v42 =	vadd.f32 $0.0e+00, v42;
	v43 =	vadd.f32 $0.0e+00, v57  }
0x1e2: {  	v50 =	vld [tilespmem:s15+$0x4600];
	v38 =	vmul.f32 v39, v38  }
0x1e3: {  	v52 =	vld [tilespmem:s5+$0x1880];
	v48 =	vmul.f32 v49, v48;
	v40 =	vadd.f32 v40, v42;
	v63 =	vadd.f32 v60, v43  }
0x1e4: {  	v49 =	vld [tilespmem:s15+$0x600];
	v36 =	vmul.f32 v37, v36  }
0x1e5: {  	v53 =	vld [tilespmem:s5+$0x5880];
	v41 =	vmul.f32 v59, v58;
	v38 =	vadd.f32 v38, v40;
	v51 =	vadd.f32 v48, v63  }
0x1e6: {  	s9 =	sor.u32 $0x1380, s6;
	v29 =	vld [tilespmem:s5+$0x5900];
	v34 =	vmul.f32 v35, v34  }
0x1e7: {  	v55 =	vld [tilespmem:s9+$0x600];
	v39 =	vmul.f32 v62, v61;
	v36 =	vadd.f32 v36, v38;
	v54 =	vadd.f32 v41, v51  }
0x1e8: {  	v56 =	vld [tilespmem:s9+$0x4600];
	v32 =	vmul.f32 v33, v32  }
0x1e9: {  	v58 =	vld [tilespmem:s5+$0x2680];
	v37 =	vmul.f32 v50, v49;
	v34 =	vadd.f32 v34, v36;
	v57 =	vadd.f32 v39, v54  }
0x1ea: {  	s11 =	sor.u32 $0x2180, s7;
	v30 =	vmul.f32 v31, v30;
	v31 =	vld [tilespmem:s5+$0x6680];
	v35 =	vmul.f32 v53, v52  }
0x1eb: {  	v28 =	vmul.f32 v29, v28;
	v29 =	vld [tilespmem:s11+$0x4600];
	v32 =	vadd.f32 v32, v34;
	v59 =	vadd.f32 v37, v57  }
0x1ec: {  	v60 =	vld [tilespmem:s11+$0x600]  }
0x1ed: {  	v33 =	vmul.f32 v56, v55;
	v62 =	vld [tilespmem:s5+$0x2880];
	v30 =	vadd.f32 v30, v32;
	v61 =	vadd.f32 v35, v59  }
0x1ee: {  	s13 =	sor.u32 $0x2380, s6;
	v26 =	vmul.f32 v27, v26;
	v27 =	vld [tilespmem:s5+$0x6880];
	v24 =	vmul.f32 v25, v24  }
0x1ef: {  	v25 =	vld [tilespmem:s13+$0x4600];
	v31 =	vmul.f32 v31, v58;
	v28 =	vadd.f32 v28, v30;
	v30 =	vadd.f32 v33, v61  }
0x1f0: {  	v22 =	vmul.f32 v23, v22;
	v63 =	vld [tilespmem:s13+$0x600]  }
0x1f1: {  	v23 =	vld [tilespmem:s5+$0x7680];
	v29 =	vmul.f32 v29, v60;
	v26 =	vadd.f32 v26, v28;
	v28 =	vadd.f32 v31, v30  }
0x1f2: {  	s7 =	sor.u32 $0x3180, s7;
	v20 =	vmul.f32 v21, v20;
	v30 =	vld [tilespmem:s5+$0x3680]  }
0x1f3: {  	v21 =	vld [tilespmem:s7+$0x4600];
	v27 =	vmul.f32 v27, v62;
	v24 =	vadd.f32 v24, v26;
	v26 =	vadd.f32 v29, v28  }
0x1f4: {  	v18 =	vmul.f32 v19, v18;
	v28 =	vld [tilespmem:s7+$0x600]  }
0x1f5: {  	v19 =	vld [tilespmem:s5+$0x7880];
	v25 =	vmul.f32 v25, v63;
	v22 =	vadd.f32 v22, v24;
	v24 =	vadd.f32 v27, v26  }
0x1f6: {  	s14 =	sor.u32 $0x3380, s6;
	v16 =	vmul.f32 v17, v16;
	v26 =	vld [tilespmem:s5+$0x3880]  }
0x1f7: {  	v17 =	vld [tilespmem:s14+$0x4600];
	v23 =	vmul.f32 v23, v30;
	v20 =	vadd.f32 v20, v22;
	v22 =	vadd.f32 v25, v24  }
0x1f8: {  	v24 =	vld [tilespmem:s14+$0x600]  }
0x1f9: {  	v21 =	vmul.f32 v21, v28;
	v18 =	vadd.f32 v18, v20;
	v20 =	vadd.f32 v23, v22  }
0x1fa: {  	v14 =	vmul.f32 v15, v14  }
0x1fb: {  	v15 =	vadd.f32 v16, v18;
	v16 =	vadd.f32 v21, v20;
	v18 =	vmul.f32 v19, v26  }
0x1fc: {  	v12 =	vmul.f32 v13, v12  }
0x1fd: {  	s6 =	simm.s32 $0x400;
	v13 =	vadd.f32 v14, v15;
	v14 =	vadd.f32 v18, v16;
	v15 =	vmul.f32 v17, v24  }
0x1fe: {  	v16 =	vld [tilespmem:s6+$0x0]  }
0x1ff: {  	v12 =	vadd.f32 v12, v13;
	v13 =	vadd.f32 v15, v14;
	_ =	sdelay $0x1  }
0x200: {  	v12 =	vadd.f32 v13, v12;
	_ =	sdelay $0x1  }
0x201: {  	v12 =	vmul.f32 v12, v16;
	_ =	sdelay $0x1  }
0x202: {  	v12 =	vsub.f32 $0.0e+00, v12;
	_ =	sdelay $0x1  }
0x203: {  	v12 =	vmul.f32 $1.442695020e+00, v12;
	_ =	sdelay $0x1  }
0x204: {  	(erf) = vpow2.f32 v12;
	_ =	sdelay $0x8  }
0x205: {  	v12 =	vpop (erf)  }
0x206: {  	v12 =	vadd.f32 $1.000000000e+00, v12;
	_ =	sdelay $0x1  }
0x207: {  	(erf) = vrcp.f32 v12;
	_ =	sdelay $0x8  }
0x208: {  	s8 =	simm.s32 $0x10;
	s9 =	simm.s32 $0x80;
	v12 =	vpop (erf)  }
0x209: {  	s15 =	sand.u32 $0x70, s8;
	s11 =	sand.u32 $0xC00, s9;
	s7 =	simm.s32 $0x8600;
	v12 =	vxor.u32 $0x80000000, v12  }
0x20a: {  	s11 =	sor.u32 s15, s11;
	[tilespmem:s7+$0x0] =	vst v12  }
0x20b: {  	v12 =	vld [tilespmem:s11+$0x3900]  }
0x20c: {  	v13 =	vld [tilespmem:s11+$0x7900]  }
0x20d: {  	v14 =	vld [tilespmem:s11+$0x3800]  }
0x20e: {  	v15 =	vld [tilespmem:s11+$0x7800]  }
0x20f: {  	v16 =	vld [tilespmem:s11+$0x3700]  }
0x210: {  	v17 =	vld [tilespmem:s11+$0x7700]  }
0x211: {  	v18 =	vld [tilespmem:s11+$0x3600]  }
0x212: {  	v19 =	vld [tilespmem:s11+$0x7600]  }
0x213: {  	v20 =	vld [tilespmem:s11+$0x2900]  }
0x214: {  	v21 =	vld [tilespmem:s11+$0x6900]  }
0x215: {  	v22 =	vld [tilespmem:s11+$0x2800]  }
0x216: {  	v23 =	vld [tilespmem:s11+$0x6800]  }
0x217: {  	v24 =	vld [tilespmem:s11+$0x2700]  }
0x218: {  	v25 =	vld [tilespmem:s11+$0x6700]  }
0x219: {  	v26 =	vld [tilespmem:s11+$0x2600]  }
0x21a: {  	v27 =	vld [tilespmem:s11+$0x6600]  }
0x21b: {  	v28 =	vld [tilespmem:s11+$0x1900]  }
0x21c: {  	v29 =	vld [tilespmem:s11+$0x5900]  }
0x21d: {  	v30 =	vld [tilespmem:s11+$0x1800]  }
0x21e: {  	v31 =	vld [tilespmem:s11+$0x5800]  }
0x21f: {  	v32 =	vld [tilespmem:s11+$0x1700]  }
0x220: {  	v33 =	vld [tilespmem:s11+$0x5700]  }
0x221: {  	v34 =	vld [tilespmem:s11+$0x1600]  }
0x222: {  	v35 =	vld [tilespmem:s11+$0x5600]  }
0x223: {  	v36 =	vld [tilespmem:s11+$0x900]  }
0x224: {  	v37 =	vld [tilespmem:s11+$0x4900]  }
0x225: {  	v38 =	vld [tilespmem:s11+$0x800]  }
0x226: {  	v39 =	vld [tilespmem:s11+$0x4800]  }
0x227: {  	v40 =	vld [tilespmem:s11+$0x700]  }
0x228: {  	v41 =	vld [tilespmem:s11+$0x4700]  }
0x229: {  	v42 =	vld [tilespmem:s11+$0x4600]  }
0x22a: {  	s13 =	sand.u32 $0xFFFFFC00, s9;
	s5 =	simm.s32 $0x20;
	v43 =	vld [tilespmem:s11+$0x600]  }
.LBB2_4:
0x22b: {  	p0 =	sne.s32 s5, $0x1F0;
	v44 =	vld [tilespmem:s11+$0x680];
	s14 =	sadd.s32 s13, s8  }
0x22c: {  	v45 =	vld [tilespmem:s11+$0x4680];
	s13 =	sor.u32 $0x180, s14  }
0x22d: {  	v46 =	vld [tilespmem:s13+$0x600]  }
0x22e: {  	v47 =	vld [tilespmem:s13+$0x4600]  }
0x22f: {  	s13 =	sor.u32 s8, s9;
	s8 =	smov.u32 s5;
	v48 =	vld [tilespmem:s11+$0x880]  }
0x230: {  	s15 =	sor.u32 $0x380, s13;
	v49 =	vld [tilespmem:s11+$0x4880]  }
0x231: {  	v42 =	vmul.f32 v42, v43;
	v43 =	vmul.f32 v45, v44;
	v44 =	vld [tilespmem:s15+$0x600]  }
0x232: {  	v40 =	vmul.f32 v41, v40;
	v41 =	vld [tilespmem:s15+$0x4600]  }
0x233: {  	v42 =	vadd.f32 $0.0e+00, v42;
	v43 =	vadd.f32 $0.0e+00, v43;
	v45 =	vmul.f32 v47, v46;
	v46 =	vld [tilespmem:s11+$0x1680]  }
0x234: {  	v38 =	vmul.f32 v39, v38;
	s15 =	sor.u32 $0x1180, s14;
	v39 =	vld [tilespmem:s11+$0x5680]  }
0x235: {  	v40 =	vadd.f32 v40, v42;
	v42 =	vadd.f32 v45, v43;
	v43 =	vmul.f32 v49, v48;
	v45 =	vld [tilespmem:s15+$0x600]  }
0x236: {  	v36 =	vmul.f32 v37, v36;
	v37 =	vld [tilespmem:s15+$0x4600]  }
0x237: {  	v38 =	vadd.f32 v38, v40;
	v40 =	vadd.f32 v43, v42;
	v41 =	vmul.f32 v41, v44;
	v42 =	vld [tilespmem:s11+$0x1880]  }
0x238: {  	v34 =	vmul.f32 v35, v34;
	s15 =	sor.u32 $0x1380, s13;
	v35 =	vld [tilespmem:s11+$0x5880]  }
0x239: {  	v36 =	vadd.f32 v36, v38;
	v38 =	vadd.f32 v41, v40;
	v39 =	vmul.f32 v39, v46;
	v40 =	vld [tilespmem:s15+$0x600]  }
0x23a: {  	v32 =	vmul.f32 v33, v32;
	v33 =	vld [tilespmem:s15+$0x4600]  }
0x23b: {  	v34 =	vadd.f32 v34, v36;
	v36 =	vadd.f32 v39, v38;
	v37 =	vmul.f32 v37, v45;
	v38 =	vld [tilespmem:s11+$0x2680]  }
0x23c: {  	v30 =	vmul.f32 v31, v30;
	s15 =	sor.u32 $0x2180, s14;
	v31 =	vld [tilespmem:s11+$0x6680]  }
0x23d: {  	v32 =	vadd.f32 v32, v34;
	v34 =	vadd.f32 v37, v36;
	v35 =	vmul.f32 v35, v42;
	v36 =	vld [tilespmem:s15+$0x600]  }
0x23e: {  	v28 =	vmul.f32 v29, v28;
	v29 =	vld [tilespmem:s15+$0x4600]  }
0x23f: {  	v30 =	vadd.f32 v30, v32;
	v32 =	vadd.f32 v35, v34;
	v33 =	vmul.f32 v33, v40;
	v34 =	vld [tilespmem:s11+$0x2880]  }
0x240: {  	v26 =	vmul.f32 v27, v26;
	s15 =	sor.u32 $0x2380, s13;
	v27 =	vld [tilespmem:s11+$0x6880]  }
0x241: {  	v28 =	vadd.f32 v28, v30;
	v30 =	vadd.f32 v33, v32;
	v31 =	vmul.f32 v31, v38;
	v32 =	vld [tilespmem:s15+$0x600]  }
0x242: {  	v24 =	vmul.f32 v25, v24;
	v25 =	vld [tilespmem:s15+$0x4600]  }
0x243: {  	v26 =	vadd.f32 v26, v28;
	v28 =	vadd.f32 v31, v30;
	v29 =	vmul.f32 v29, v36;
	v30 =	vld [tilespmem:s11+$0x3680]  }
0x244: {  	v22 =	vmul.f32 v23, v22;
	s14 =	sor.u32 $0x3180, s14;
	v23 =	vld [tilespmem:s11+$0x7680]  }
0x245: {  	v24 =	vadd.f32 v24, v26;
	v26 =	vadd.f32 v29, v28;
	v27 =	vmul.f32 v27, v34;
	v28 =	vld [tilespmem:s14+$0x600]  }
0x246: {  	v20 =	vmul.f32 v21, v20;
	v21 =	vld [tilespmem:s14+$0x4600]  }
0x247: {  	v22 =	vadd.f32 v22, v24;
	v24 =	vadd.f32 v27, v26;
	v25 =	vmul.f32 v25, v32;
	v26 =	vld [tilespmem:s11+$0x3880]  }
0x248: {  	v18 =	vmul.f32 v19, v18;
	v19 =	vld [tilespmem:s11+$0x7880];
	s11 =	sor.u32 $0x3380, s13  }
0x249: {  	v20 =	vadd.f32 v20, v22;
	v22 =	vadd.f32 v25, v24;
	v23 =	vmul.f32 v23, v30;
	v24 =	vld [tilespmem:s11+$0x600]  }
0x24a: {  	v16 =	vmul.f32 v17, v16;
	v17 =	vld [tilespmem:s11+$0x4600]  }
0x24b: {  	v18 =	vadd.f32 v18, v20;
	v20 =	vadd.f32 v23, v22;
	v21 =	vmul.f32 v21, v28  }
0x24c: {  	v14 =	vmul.f32 v15, v14  }
0x24d: {  	v15 =	vadd.f32 v16, v18;
	v16 =	vadd.f32 v21, v20;
	v18 =	vmul.f32 v19, v26  }
0x24e: {  	v12 =	vmul.f32 v13, v12  }
0x24f: {  	s6 =	sadd.s32 $0x10, s6;
	v13 =	vadd.f32 v14, v15;
	v14 =	vadd.f32 v18, v16;
	v15 =	vmul.f32 v17, v24  }
0x250: {  	v16 =	vld [tilespmem:s6+$0x0]  }
0x251: {  	v12 =	vadd.f32 v12, v13;
	v13 =	vadd.f32 v15, v14;
	_ =	sdelay $0x1  }
0x252: {  	v12 =	vadd.f32 v13, v12;
	_ =	sdelay $0x1  }
0x253: {  	v12 =	vmul.f32 v12, v16;
	_ =	sdelay $0x1  }
0x254: {  	v12 =	vsub.f32 $0.0e+00, v12;
	_ =	sdelay $0x1  }
0x255: {  	v12 =	vmul.f32 $1.442695020e+00, v12;
	_ =	sdelay $0x1  }
0x256: {  	(erf) = vpow2.f32 v12;
	_ =	sdelay $0x8  }
0x257: {  	v12 =	vpop (erf)  }
0x258: {  	v12 =	vadd.f32 $1.000000000e+00, v12;
	_ =	sdelay $0x1  }
0x259: {  	(erf) = vrcp.f32 v12;
	_ =	sdelay $0x8  }
0x25a: {  	s9 =	sadd.s32 $0x80, s9;
	v12 =	vpop (erf)  }
0x25b: {  	s7 =	sadd.s32 $0x10, s7;
	s13 =	sand.u32 $0xC00, s9;
	s11 =	sand.u32 $0x70, s5;
	v12 =	vxor.u32 $0x80000000, v12  }
0x25c: {  	s11 =	sor.u32 s11, s13;
	[tilespmem:s7+$0x0] =	vst v12  }
0x25d: {  	v12 =	vld [tilespmem:s11+$0x3900]  }
0x25e: {  	v13 =	vld [tilespmem:s11+$0x7900]  }
0x25f: {  	v14 =	vld [tilespmem:s11+$0x3800]  }
0x260: {  	v15 =	vld [tilespmem:s11+$0x7800]  }
0x261: {  	v16 =	vld [tilespmem:s11+$0x3700]  }
0x262: {  	v17 =	vld [tilespmem:s11+$0x7700]  }
0x263: {  	v18 =	vld [tilespmem:s11+$0x3600]  }
0x264: {  	v19 =	vld [tilespmem:s11+$0x7600]  }
0x265: {  	v20 =	vld [tilespmem:s11+$0x2900]  }
0x266: {  	v21 =	vld [tilespmem:s11+$0x6900]  }
0x267: {  	v22 =	vld [tilespmem:s11+$0x2800]  }
0x268: {  	v23 =	vld [tilespmem:s11+$0x6800]  }
0x269: {  	v24 =	vld [tilespmem:s11+$0x2700]  }
0x26a: {  	v25 =	vld [tilespmem:s11+$0x6700]  }
0x26b: {  	v26 =	vld [tilespmem:s11+$0x2600]  }
0x26c: {  	v27 =	vld [tilespmem:s11+$0x6600]  }
0x26d: {  	v28 =	vld [tilespmem:s11+$0x1900]  }
0x26e: {  	v29 =	vld [tilespmem:s11+$0x5900]  }
0x26f: {  	v30 =	vld [tilespmem:s11+$0x1800]  }
0x270: {  	v31 =	vld [tilespmem:s11+$0x5800]  }
0x271: {  	v32 =	vld [tilespmem:s11+$0x1700]  }
0x272: {  	v33 =	vld [tilespmem:s11+$0x5700]  }
0x273: {  	v34 =	vld [tilespmem:s11+$0x1600]  }
0x274: {  	v35 =	vld [tilespmem:s11+$0x5600]  }
0x275: {  	v36 =	vld [tilespmem:s11+$0x900]  }
0x276: {  	v37 =	vld [tilespmem:s11+$0x4900]  }
0x277: {  	v38 =	vld [tilespmem:s11+$0x800]  }
.Ltmp1:
0x278: {  	v39 =	vld [tilespmem:s11+$0x4800];
	(pc) =	sbr.rel @p0 .LBB2_4-.Ltmp1, $4  }
0x279: {  	v40 =	vld [tilespmem:s11+$0x700]  }
0x27a: {  	v41 =	vld [tilespmem:s11+$0x4700]  }
0x27b: {  	v42 =	vld [tilespmem:s11+$0x4600]  }
0x27c: {  	s5 =	sadd.s32 $0x10, s5;
	s13 =	sand.u32 $0xFFFFFC00, s9;
	v43 =	vld [tilespmem:s11+$0x600]  }
0x27d: {  	v44 =	vld [tilespmem:s11+$0x680];
	s13 =	sadd.s32 s13, s8  }
0x27e: {  	v45 =	vld [tilespmem:s11+$0x4680];
	s5 =	sor.u32 $0x180, s13  }
0x27f: {  	v46 =	vld [tilespmem:s5+$0x600]  }
0x280: {  	v47 =	vld [tilespmem:s5+$0x4600]  }
0x281: {  	v48 =	vld [tilespmem:s11+$0x880];
	s5 =	sor.u32 s8, s9  }
0x282: {  	v49 =	vld [tilespmem:s11+$0x4880];
	s8 =	sor.u32 $0x380, s5  }
0x283: {  	v42 =	vmul.f32 v42, v43;
	v58 =	vld [tilespmem:s8+$0x600];
	v57 =	vmul.f32 v45, v44  }
0x284: {  	v40 =	vmul.f32 v41, v40;
	v59 =	vld [tilespmem:s8+$0x4600]  }
0x285: {  	v61 =	vld [tilespmem:s11+$0x1680];
	v42 =	vadd.f32 $0.0e+00, v42;
	v43 =	vadd.f32 $0.0e+00, v57;
	v60 =	vmul.f32 v47, v46  }
0x286: {  	v38 =	vmul.f32 v39, v38;
	v62 =	vld [tilespmem:s11+$0x5680];
	s14 =	sor.u32 $0x1180, s13  }
0x287: {  	v50 =	vld [tilespmem:s14+$0x4600];
	v48 =	vmul.f32 v49, v48;
	v40 =	vadd.f32 v40, v42;
	v63 =	vadd.f32 v60, v43  }
0x288: {  	v36 =	vmul.f32 v37, v36;
	v49 =	vld [tilespmem:s14+$0x600]  }
0x289: {  	v52 =	vld [tilespmem:s11+$0x1880];
	v41 =	vmul.f32 v59, v58;
	v38 =	vadd.f32 v38, v40;
	v51 =	vadd.f32 v48, v63  }
0x28a: {  	v34 =	vmul.f32 v35, v34;
	v53 =	vld [tilespmem:s11+$0x5880];
	s15 =	sor.u32 $0x1380, s5  }
0x28b: {  	v55 =	vld [tilespmem:s15+$0x600];
	v39 =	vmul.f32 v62, v61;
	v36 =	vadd.f32 v36, v38;
	v54 =	vadd.f32 v41, v51  }
0x28c: {  	v32 =	vmul.f32 v33, v32;
	v56 =	vld [tilespmem:s15+$0x4600]  }
0x28d: {  	v58 =	vld [tilespmem:s11+$0x2680];
	v37 =	vmul.f32 v50, v49;
	v34 =	vadd.f32 v34, v36;
	v57 =	vadd.f32 v39, v54  }
0x28e: {  	v30 =	vmul.f32 v31, v30;
	s9 =	sor.u32 $0x2180, s13;
	v59 =	vld [tilespmem:s11+$0x6680]  }
0x28f: {  	v35 =	vmul.f32 v53, v52;
	v61 =	vld [tilespmem:s9+$0x600];
	v32 =	vadd.f32 v32, v34;
	v60 =	vadd.f32 v37, v57  }
0x290: {  	v28 =	vmul.f32 v29, v28;
	v62 =	vld [tilespmem:s9+$0x4600]  }
0x291: {  	v33 =	vmul.f32 v56, v55;
	v39 =	vld [tilespmem:s11+$0x6880];
	v30 =	vadd.f32 v30, v32;
	v63 =	vadd.f32 v35, v60  }
0x292: {  	v26 =	vmul.f32 v27, v26;
	s14 =	sor.u32 $0x2380, s5;
	v37 =	vld [tilespmem:s11+$0x2880]  }
0x293: {  	v42 =	vld [tilespmem:s14+$0x4600];
	v31 =	vmul.f32 v59, v58;
	v28 =	vadd.f32 v28, v30;
	v40 =	vadd.f32 v33, v63  }
0x294: {  	v24 =	vmul.f32 v25, v24;
	v41 =	vld [tilespmem:s14+$0x600]  }
0x295: {  	v44 =	vld [tilespmem:s11+$0x3680];
	v29 =	vmul.f32 v62, v61;
	v26 =	vadd.f32 v26, v28;
	v43 =	vadd.f32 v31, v40  }
0x296: {  	v22 =	vmul.f32 v23, v22;
	s15 =	sor.u32 $0x3180, s13;
	v45 =	vld [tilespmem:s11+$0x7680]  }
0x297: {  	v47 =	vld [tilespmem:s15+$0x600];
	v27 =	vmul.f32 v39, v37;
	v24 =	vadd.f32 v24, v26;
	v46 =	vadd.f32 v29, v43  }
0x298: {  	v20 =	vmul.f32 v21, v20;
	v48 =	vld [tilespmem:s15+$0x4600]  }
0x299: {  	v50 =	vld [tilespmem:s11+$0x3880];
	v25 =	vmul.f32 v42, v41;
	v22 =	vadd.f32 v22, v24;
	v49 =	vadd.f32 v27, v46  }
0x29a: {  	v18 =	vmul.f32 v19, v18;
	s5 =	sor.u32 $0x3380, s5;
	v51 =	vld [tilespmem:s11+$0x7880]  }
0x29b: {  	v53 =	vld [tilespmem:s5+$0x600];
	v23 =	vmul.f32 v45, v44;
	v20 =	vadd.f32 v20, v22;
	v52 =	vadd.f32 v25, v49  }
0x29c: {  	v16 =	vmul.f32 v17, v16;
	v54 =	vld [tilespmem:s5+$0x4600]  }
0x29d: {  	v21 =	vmul.f32 v48, v47;
	v18 =	vadd.f32 v18, v20;
	v55 =	vadd.f32 v23, v52  }
0x29e: {  	v14 =	vmul.f32 v15, v14  }
0x29f: {  	v58 =	vmul.f32 v51, v50;
	v56 =	vadd.f32 v16, v18;
	v57 =	vadd.f32 v21, v55  }
0x2a0: {  	v12 =	vmul.f32 v13, v12  }
0x2a1: {  	s8 =	sadd.s32 $0x10, s6;
	v61 =	vmul.f32 v54, v53;
	v59 =	vadd.f32 v14, v56;
	v60 =	vadd.f32 v58, v57  }
0x2a2: {  	v62 =	vld [tilespmem:s8+$0x0]  }
0x2a3: {  	v12 =	vadd.f32 v12, v59;
	v63 =	vadd.f32 v61, v60;
	_ =	sdelay $0x1  }
0x2a4: {  	v12 =	vadd.f32 v63, v12;
	_ =	sdelay $0x1  }
0x2a5: {  	v12 =	vmul.f32 v12, v62;
	_ =	sdelay $0x1  }
0x2a6: {  	v12 =	vsub.f32 $0.0e+00, v12;
	_ =	sdelay $0x1  }
0x2a7: {  	v12 =	vmul.f32 $1.442695020e+00, v12;
	_ =	sdelay $0x1  }
0x2a8: {  	(erf) = vpow2.f32 v12;
	_ =	sdelay $0x8  }
0x2a9: {  	v12 =	vpop (erf)  }
0x2aa: {  	v12 =	vadd.f32 $1.000000000e+00, v12;
	_ =	sdelay $0x1  }
0x2ab: {  	(erf) = vrcp.f32 v12;
	_ =	sdelay $0x8  }
0x2ac: {  	v12 =	vpop (erf)  }
0x2ad: {  	s6 =	simm.s32 $0x80;
	s9 =	sadd.s32 $0x10, s7;
	v12 =	vxor.u32 $0x80000000, v12  }
0x2ae: {  	s13 =	simm.s32 $0x8600;
	s7 =	simm.s32 $0x3;
	s11 =	rddreg [dreg:$0x7];
	[tilespmem:s9+$0x0] =	vst v12  }
0x2af: {  	[hbm4b:s11+s6] =	stream.strided.scatter [tilespmem:s13], [sflag:$0x3], $0x200, s10, s6, $0x38;
	[tilespmem:$0x18800] =	vst v63  }
0x2b0: {  	_ =	swait.ge [sflag:s7], $0x200  }
0x2b1: {  	s14 =	rddreg [dreg:$0x9]  }
0x2b2: {  	s15 =	rddreg [dreg:$0x8];
	s8 =	sadd.s32 $0x1, s14  }
0x2b3: {  	p0 =	sne.s32 s8, s15  }
.Ltmp2:
0x2b4: {  	_ = 	snop;
	(pc) =	sbr.rel @p0 .LBB2_1-.Ltmp2, $3  }
0x2b5: {  	_ =	sdelay $0x1  }
0x2b6: {  	s11 =	simm.s32 $0x8800;
	[sflag:s7] =	ssyncset.done $0x0  }
0x2b7: {  	s13 =	simm.s32 $0x10800;
	[sflag:s7] =	ssyncadd.s32 $0xFFFFFE00;
	s14 =	simm.s32 $0x9800  }
0x2b8: {  	_ =	sfence.sel $0x180000  }
0x2b9: {  	[bflag:$0x0] =	sbarrier.arrive $0xFFFF  }
0x2ba: {  	_ =	strace $0x90000047  }
0x2bb: {  	s0 =	stileid.u32;
	[bflag:$0x2] =	sbarrier.arrive $0xFFFF  }
0x2bc: {  	p0 =	sne.s32 s0, $0x0;
	s0 =	rddreg [dreg:$0x4]  }
0x2bd: {  	s0 =	sadd.s32 @!p0 $0x100000, s0  }
0x2be: {  	[sflag:s0] =	ssyncadd.tile.s32 @!p0 $0x1;
	_ =	shalt  }
.Lfunc_end2:
_tile_overlayer_lowered:
.L_overlay_start_2:
0x2bf: {  	(tag) =	ssettag $0x2  }
0x2c0: {  	s0 =	rddreg [dreg:$0x0];
	s2 =	stileid.u32  }
0x2c1: {  	s1 =	rddreg [dreg:$0x1];
	p0 =	sne.s32 s2, $0x0  }
0x2c2: {  	s3 =	rddreg [dreg:$0x2];
	[bflag:$0x3] =	sbarrier.arrive $0xFFFF;
	s2 =	simm.s32 @!p0 $0x1C03  }
0x2c3: {  	[timem:s3], [sflag:s2] =	dma.local @!p0 [hbm:s0], s1  }
0x2c4: {  	s0 =	simm.s32 @!p0 $0x3  }
0x2c5: {  	_ =	swait.ge @!p0 [sflag:s0], s1  }
0x2c6: {  	s1 =	ssub.s32 @!p0 $0x0, s1;
	[sflag:s0] =	ssyncset.done @!p0 $0x0  }
0x2c7: {  	[sflag:s0] =	ssyncadd.s32 @!p0 s1  }
0x2c8: {  	[bflag:$0x3] =	sbarrier.arrive $0xFFFF  }
0x2c9: {  	_ =	shalt  }

</sc_bundles>
